<compile_context>
chip_gen: v7x
topology: tpu7x:2x2x1
jax: 0.10.2.dev20260603
libtpu: 0.0.44.dev20260713+nightly
codegen_flags: <defaults>
</compile_context>

<pallas_src>
import jax
import jax.numpy as jnp
from jax import lax
from jax.experimental import pallas as pl
from jax.experimental.pallas import tpu as pltpu
from jax.experimental.pallas import tpu_sc as plsc

N = 10000
E = 320000
DF = 128
DH = 32
DO = 16

NC = 2
NS = 16
NW = NC * NS
CHUNK = 125
NCH = 80
EPW = NCH * CHUNK
RPT = N // NS
NBUF = 8

_SC_MESH = plsc.VectorSubcoreMesh(core_axis_name="c", subcore_axis_name="s")


def _deg_body(ei_hbm, out_hbm, dst_v, hist, sem):
    c = lax.axis_index("c")
    s = lax.axis_index("s")
    wid = s * NC + c

    zeros16 = jnp.zeros((16,), jnp.float32)

    def zero_body(i, carry):
        hist[pl.ds(i * 16, 16)] = zeros16
        return carry

    lax.fori_loop(0, N // 16, zero_body, 0)

    pltpu.sync_copy(ei_hbm.at[1, wid], dst_v)

    ones16 = jnp.ones((16,), jnp.float32)
    tail_mask = lax.iota(jnp.int32, 16) >= 3

    def chunk_body(j, carry):
        for k in range(7):
            idx = dst_v[j, pl.ds(k * 16, 16)]
            plsc.addupdate_scatter(hist, [idx], ones16)
        idx_t = dst_v[j, pl.ds(CHUNK - 16, 16)]
        plsc.addupdate_scatter(hist, [idx_t], ones16, mask=tail_mask)
        return carry

    lax.fori_loop(0, NCH, chunk_body, 0)

    pltpu.sync_copy(hist, out_hbm.at[wid])


_deg_call = pl.kernel(
    _deg_body,
    out_type=jax.ShapeDtypeStruct((NW, N), jnp.float32),
    mesh=_SC_MESH,
    compiler_params=pltpu.CompilerParams(needs_layout_passes=False),
    scratch_types=[
        pltpu.VMEM((NCH, CHUNK), jnp.int32),
        pltpu.VMEM((N,), jnp.float32),
        pltpu.SemaphoreType.DMA,
    ],
)


def _make_agg(width):
    def body(hs_hbm, ei_hbm, out_hbm, src_v, dst_v, gbuf, zbuf, acc, gsem, ssem):
        c = lax.axis_index("c")
        s = lax.axis_index("s")
        wid = s * NC + c

        pltpu.sync_copy(ei_hbm.at[0, wid], src_v)
        pltpu.sync_copy(ei_hbm.at[1, wid], dst_v)

        zeros16 = jnp.zeros((16,), jnp.float32)

        def zrow(i, carry):
            def zcol(k, carry2):
                zbuf[i, pl.ds(k * 16, 16)] = zeros16
                return carry2

            return lax.fori_loop(0, width // 16, zcol, carry)

        lax.fori_loop(0, RPT, zrow, 0)
        pltpu.sync_copy(zbuf, acc.at[pl.ds(s * RPT, RPT)])
        plsc.subcore_barrier()

        for p in range(NBUF - 1):
            pltpu.async_copy(hs_hbm.at[src_v.at[p]], gbuf.at[p], gsem.at[p])

        def chunk_body(j, carry):
            b = lax.rem(j, NBUF)
            pltpu.make_async_copy(
                hs_hbm.at[src_v.at[j]], gbuf.at[b], gsem.at[b]
            ).wait()
            pltpu.async_copy(
                gbuf.at[b], acc.at[dst_v.at[j]], ssem.at[b], add=True
            )
            nxt = j + NBUF - 1

            @pl.when(nxt < NCH)
            def _start():
                nb = lax.rem(nxt, NBUF)

                @pl.when(j >= 1)
                def _drain():
                    pltpu.make_async_copy(
                        gbuf.at[nb], acc.at[dst_v.at[j - 1]], ssem.at[nb]
                    ).wait()

                pltpu.async_copy(
                    hs_hbm.at[src_v.at[nxt]], gbuf.at[nb], gsem.at[nb]
                )

            return carry

        lax.fori_loop(0, NCH, chunk_body, 0)

        def drain_body(k, carry):
            j = NCH - NBUF + k
            b = lax.rem(j, NBUF)
            pltpu.make_async_copy(
                gbuf.at[b], acc.at[dst_v.at[j]], ssem.at[b]
            ).wait()
            return carry

        lax.fori_loop(0, NBUF, drain_body, 0)
        plsc.subcore_barrier()

        pltpu.sync_copy(
            acc.at[pl.ds(s * RPT, RPT)], out_hbm.at[c, pl.ds(s * RPT, RPT)]
        )

    return pl.kernel(
        body,
        out_type=jax.ShapeDtypeStruct((NC, N, width), jnp.float32),
        mesh=_SC_MESH,
        compiler_params=pltpu.CompilerParams(use_tc_tiling_on_sc=False),
        scratch_types=[
            pltpu.VMEM((NCH, CHUNK), jnp.int32),
            pltpu.VMEM((NCH, CHUNK), jnp.int32),
            pltpu.VMEM((NBUF, CHUNK, width), jnp.float32),
            pltpu.VMEM((RPT, width), jnp.float32),
            pltpu.VMEM_SHARED((N, width), jnp.float32),
            pltpu.SemaphoreType.DMA((NBUF,)),
            pltpu.SemaphoreType.DMA((NBUF,)),
        ],
    )


_agg_h = _make_agg(DH)
_agg_o = _make_agg(DO)


_BR = 2000
_GRID = N // _BR


def _dinv_body(degp_ref, dinv_ref):
    deg = jnp.sum(degp_ref[...], axis=0) + 1.0
    dinv = lax.rsqrt(deg)
    dinv_ref[...] = jnp.broadcast_to(dinv[:, None], (N, DH))


_dinv_call = pl.pallas_call(
    _dinv_body,
    grid=(1,),
    in_specs=[pl.BlockSpec((NW, N), lambda i: (0, 0))],
    out_specs=pl.BlockSpec((N, DH), lambda i: (0, 0)),
    out_shape=jax.ShapeDtypeStruct((N, DH), jnp.float32),
)


def _mm1_body(x_ref, w1_ref, h_ref):
    h_ref[...] = jnp.dot(
        x_ref[...], w1_ref[...], preferred_element_type=jnp.float32
    )


_mm1_call = pl.pallas_call(
    _mm1_body,
    grid=(_GRID,),
    in_specs=[
        pl.BlockSpec((_BR, DF), lambda i: (i, 0)),
        pl.BlockSpec((DF, DH), lambda i: (0, 0)),
    ],
    out_specs=pl.BlockSpec((_BR, DH), lambda i: (i, 0)),
    out_shape=jax.ShapeDtypeStruct((N, DH), jnp.float32),
)


def _scale_body(h_ref, dinv_ref, hs_ref):
    hs_ref[...] = h_ref[...] * dinv_ref[...]


_scale_call = pl.pallas_call(
    _scale_body,
    grid=(_GRID,),
    in_specs=[
        pl.BlockSpec((_BR, DH), lambda i: (i, 0)),
        pl.BlockSpec((_BR, DH), lambda i: (i, 0)),
    ],
    out_specs=pl.BlockSpec((_BR, DH), lambda i: (i, 0)),
    out_shape=jax.ShapeDtypeStruct((N, DH), jnp.float32),
)


def _l2_body(acc_ref, hs_ref, dinv_ref, wmu_ref, out_ref):
    dinv = dinv_ref[...]
    z = jnp.maximum((acc_ref[0] + acc_ref[1] + hs_ref[...]) * dinv, 0.0)
    h2 = jnp.dot(z, wmu_ref[...], preferred_element_type=jnp.float32)
    out_ref[...] = h2 * dinv[:, :DO]


_l2_call = pl.pallas_call(
    _l2_body,
    grid=(_GRID,),
    in_specs=[
        pl.BlockSpec((NC, _BR, DH), lambda i: (0, i, 0)),
        pl.BlockSpec((_BR, DH), lambda i: (i, 0)),
        pl.BlockSpec((_BR, DH), lambda i: (i, 0)),
        pl.BlockSpec((DH, DO), lambda i: (0, 0)),
    ],
    out_specs=pl.BlockSpec((_BR, DO), lambda i: (i, 0)),
    out_shape=jax.ShapeDtypeStruct((N, DO), jnp.float32),
)


def _out_body(acc_ref, hs_ref, dinv_ref, out_ref):
    out_ref[...] = (
        (acc_ref[0] + acc_ref[1] + hs_ref[...]) * dinv_ref[:, :DO]
    )


_out_call = pl.pallas_call(
    _out_body,
    grid=(_GRID,),
    in_specs=[
        pl.BlockSpec((NC, _BR, DO), lambda i: (0, i, 0)),
        pl.BlockSpec((_BR, DO), lambda i: (i, 0)),
        pl.BlockSpec((_BR, DH), lambda i: (i, 0)),
    ],
    out_specs=pl.BlockSpec((_BR, DO), lambda i: (i, 0)),
    out_shape=jax.ShapeDtypeStruct((N, DO), jnp.float32),
)


def kernel(x, edge_index, W1, W_mu):
    ei = edge_index.astype(jnp.int32).reshape(2, NW, NCH, CHUNK)

    degp = _deg_call(ei)
    h1 = _mm1_call(x, W1)
    dinv = _dinv_call(degp)
    hs1 = _scale_call(h1, dinv)

    acc1 = _agg_h(hs1, ei)
    hs2 = _l2_call(acc1, hs1, dinv, W_mu)
    acc2 = _agg_o(hs2, ei)
    return _out_call(acc2, hs2, dinv)

# --- scband reference (transcript-rebuilt; emitter-appended) ---
"""Pipeline reference for scband-vgae-73392401154211 (READ-ONLY COPY).

The authoritative reference and input builder live on the scoring server;
editing this copy changes nothing except your own understanding.
"""

import jax, jax.numpy as jnp
import numpy as np

N_NODES = 10000
N_EDGES = 320000
D_FEAT = 128
D_HID = 32
D_OUT = 16


def setup_inputs(seed: int = 0) -> dict:
    key = jax.random.key(seed)
    k1, k2, k3, k4 = jax.random.split(key, 4)
    x = jax.random.normal(k1, (N_NODES, D_FEAT), dtype=jnp.float32)
    edge_index = jax.random.randint(k2, (2, N_EDGES), 0, N_NODES, dtype=jnp.int64)
    # Glorot-style init for GCN weights (bias=False)
    W1 = jax.random.normal(k3, (D_FEAT, D_HID), dtype=jnp.float32) * (1.0 / np.sqrt(D_FEAT))
    W_mu = jax.random.normal(k4, (D_HID, D_OUT), dtype=jnp.float32) * (1.0 / np.sqrt(D_HID))
    return {"x": x, "edge_index": edge_index, "W1": W1, "W_mu": W_mu}


def _gcn_conv(x, W, src, dst, num_nodes):
    # PyG GCNConv (normalize=True, bias=False, edge_weight=None):
    # add self-loops, symmetric normalization, linear transform, scatter-add aggregation.
    h = x @ W
    loop = jnp.arange(num_nodes, dtype=src.dtype)
    src_sl = jnp.concatenate([src, loop])
    dst_sl = jnp.concatenate([dst, loop])
    ew = jnp.ones((src_sl.shape[0],), dtype=h.dtype)
    deg = jnp.zeros((num_nodes,), dtype=h.dtype).at[dst_sl].add(ew)
    deg_inv_sqrt = jnp.where(deg > 0, 1.0 / jnp.sqrt(deg), 0.0)
    norm = deg_inv_sqrt[src_sl] * ew * deg_inv_sqrt[dst_sl]
    msg = h[src_sl] * norm[:, None]
    out = jnp.zeros((num_nodes, h.shape[1]), dtype=h.dtype).at[dst_sl].add(msg)
    return out


def reference(x, edge_index, W1, W_mu):
    # VGAE.forward in eval mode: encoder (GCNConv -> ReLU -> Dropout(eval=identity)) then mu_conv; returns mu.
    src = edge_index[0]
    dst = edge_index[1]
    n = x.shape[0]
    h = _gcn_conv(x, W1, src, dst, n)
    h = jax.nn.relu(h)
    # Dropout is identity in eval mode
    mu = _gcn_conv(h, W_mu, src, dst, n)
    return mu

if __name__ == "__main__":
    import jax
    _d = setup_inputs()
    print(jax.jit(kernel)(*tuple(_d.values())))

</pallas_src>

<mosaic_0001>
#map = affine_map<(d0, d1) -> (0, 0)>
#map1 = affine_map<(d0, d1) -> (0, 0, 0, 0)>
#map2 = affine_map<(d0, d1) -> (0, 0, 0)>
module attributes {stable_mosaic.version = 14 : i64} {
  func.func @body(%arg0: i32, %arg1: i32, %arg2: memref<10000x32xf32, #tpu.memory_space<hbm>>, %arg3: memref<2x32x80x125xi32, #tpu.memory_space<hbm>>, %arg4: memref<2x10000x32xf32, #tpu.memory_space<hbm>>, %arg5: memref<80x125xi32, #tpu.memory_space<vmem>>, %arg6: memref<80x125xi32, #tpu.memory_space<vmem>>, %arg7: memref<8x125x32xf32, #tpu.memory_space<vmem>>, %arg8: memref<625x32xf32, #tpu.memory_space<vmem>>, %arg9: memref<10000x32xf32, #tpu.memory_space<vmem_shared>>, %arg10: memref<8x!tpu.dma_semaphore, #tpu.memory_space<semaphore_mem>>, %arg11: memref<8x!tpu.dma_semaphore, #tpu.memory_space<semaphore_mem>>) attributes {dimension_semantics = [#tpu.dimension_semantics<core_parallel>, #tpu.dimension_semantics<subcore_parallel>], iteration_bounds = array<i64: 2, 16>, scalar_prefetch = 0 : i64, scratch_operands = 7 : i64, tpu.core_type = #tpu.core_type<sc_vector_subcore>, window_params = [{transform_indices = #map}, {transform_indices = #map1}, {transform_indices = #map2}]} {
    %mul3A = arith.constant 2 : i32
    %mul3A_0 = arith.muli %arg1, %mul3A : i32
    %add3A = arith.addi %mul3A_0, %arg0 : i32
    %run_scoped3A = arith.constant 0 : i32
    "tpu.region"() ({
      %run_scoped3A_131 = tpu.sem_alloc : memref<!tpu.dma_semaphore, #tpu.memory_space<semaphore_mem>>
      %dma_start3A_132 = arith.constant 0 : i32
      %dma_start3A_133 = arith.constant 0 : i32
      %dma_start3A_134 = tpu.memref_slice %arg3[%run_scoped3A, %add3A, %dma_start3A_132, %dma_start3A_133] : memref<2x32x80x125xi32, #tpu.memory_space<hbm>> -> memref<1x1x80x125xi32, #tpu.memory_space<hbm>>
      %dma_start3A_135 = tpu.memref_squeeze %dma_start3A_134 : memref<1x1x80x125xi32, #tpu.memory_space<hbm>> -> memref<80x125xi32, #tpu.memory_space<hbm>>
      %dma_start3A_136 = arith.constant 0 : i32
      %dma_start3A_137 = arith.constant 0 : i32
      %dma_start3A_138 = tpu.memref_slice %arg3[%run_scoped3A, %add3A, %dma_start3A_136, %dma_start3A_137] : memref<2x32x80x125xi32, #tpu.memory_space<hbm>> -> memref<1x1x80x125xi32, #tpu.memory_space<hbm>>
      %dma_start3A_139 = tpu.memref_squeeze %dma_start3A_138 : memref<1x1x80x125xi32, #tpu.memory_space<hbm>> -> memref<80x125xi32, #tpu.memory_space<hbm>>
      tpu.enqueue_dma source(%dma_start3A_139 : memref<80x125xi32, #tpu.memory_space<hbm>>) target(%arg5 : memref<80x125xi32, #tpu.memory_space<vmem>>) target_semaphore(%run_scoped3A_131 : memref<!tpu.dma_semaphore, #tpu.memory_space<semaphore_mem>>)
      %dma_wait3A = arith.constant 0 : i32
      %dma_wait3A_140 = arith.constant 0 : i32
      %dma_wait3A_141 = tpu.memref_slice %arg3[%run_scoped3A, %add3A, %dma_wait3A, %dma_wait3A_140] : memref<2x32x80x125xi32, #tpu.memory_space<hbm>> -> memref<1x1x80x125xi32, #tpu.memory_space<hbm>>
      %dma_wait3A_142 = tpu.memref_squeeze %dma_wait3A_141 : memref<1x1x80x125xi32, #tpu.memory_space<hbm>> -> memref<80x125xi32, #tpu.memory_space<hbm>>
      %dma_wait3A_143 = arith.constant 0 : i32
      %dma_wait3A_144 = arith.constant 0 : i32
      %dma_wait3A_145 = tpu.memref_slice %arg3[%run_scoped3A, %add3A, %dma_wait3A_143, %dma_wait3A_144] : memref<2x32x80x125xi32, #tpu.memory_space<hbm>> -> memref<1x1x80x125xi32, #tpu.memory_space<hbm>>
      %dma_wait3A_146 = tpu.memref_squeeze %dma_wait3A_145 : memref<1x1x80x125xi32, #tpu.memory_space<hbm>> -> memref<80x125xi32, #tpu.memory_space<hbm>>
      tpu.wait_dma2 semaphore(%run_scoped3A_131 : memref<!tpu.dma_semaphore, #tpu.memory_space<semaphore_mem>>) src(%dma_wait3A_146 : memref<80x125xi32, #tpu.memory_space<hbm>>) dst(%arg5 : memref<80x125xi32, #tpu.memory_space<vmem>>)
      tpu.yield
    }) : () -> ()
    %run_scoped3A_1 = arith.constant 1 : i32
    "tpu.region"() ({
      %run_scoped3A_131 = tpu.sem_alloc : memref<!tpu.dma_semaphore, #tpu.memory_space<semaphore_mem>>
      %dma_start3A_132 = arith.constant 0 : i32
      %dma_start3A_133 = arith.constant 0 : i32
      %dma_start3A_134 = tpu.memref_slice %arg3[%run_scoped3A_1, %add3A, %dma_start3A_132, %dma_start3A_133] : memref<2x32x80x125xi32, #tpu.memory_space<hbm>> -> memref<1x1x80x125xi32, #tpu.memory_space<hbm>>
      %dma_start3A_135 = tpu.memref_squeeze %dma_start3A_134 : memref<1x1x80x125xi32, #tpu.memory_space<hbm>> -> memref<80x125xi32, #tpu.memory_space<hbm>>
      %dma_start3A_136 = arith.constant 0 : i32
      %dma_start3A_137 = arith.constant 0 : i32
      %dma_start3A_138 = tpu.memref_slice %arg3[%run_scoped3A_1, %add3A, %dma_start3A_136, %dma_start3A_137] : memref<2x32x80x125xi32, #tpu.memory_space<hbm>> -> memref<1x1x80x125xi32, #tpu.memory_space<hbm>>
      %dma_start3A_139 = tpu.memref_squeeze %dma_start3A_138 : memref<1x1x80x125xi32, #tpu.memory_space<hbm>> -> memref<80x125xi32, #tpu.memory_space<hbm>>
      tpu.enqueue_dma source(%dma_start3A_139 : memref<80x125xi32, #tpu.memory_space<hbm>>) target(%arg6 : memref<80x125xi32, #tpu.memory_space<vmem>>) target_semaphore(%run_scoped3A_131 : memref<!tpu.dma_semaphore, #tpu.memory_space<semaphore_mem>>)
      %dma_wait3A = arith.constant 0 : i32
      %dma_wait3A_140 = arith.constant 0 : i32
      %dma_wait3A_141 = tpu.memref_slice %arg3[%run_scoped3A_1, %add3A, %dma_wait3A, %dma_wait3A_140] : memref<2x32x80x125xi32, #tpu.memory_space<hbm>> -> memref<1x1x80x125xi32, #tpu.memory_space<hbm>>
      %dma_wait3A_142 = tpu.memref_squeeze %dma_wait3A_141 : memref<1x1x80x125xi32, #tpu.memory_space<hbm>> -> memref<80x125xi32, #tpu.memory_space<hbm>>
      %dma_wait3A_143 = arith.constant 0 : i32
      %dma_wait3A_144 = arith.constant 0 : i32
      %dma_wait3A_145 = tpu.memref_slice %arg3[%run_scoped3A_1, %add3A, %dma_wait3A_143, %dma_wait3A_144] : memref<2x32x80x125xi32, #tpu.memory_space<hbm>> -> memref<1x1x80x125xi32, #tpu.memory_space<hbm>>
      %dma_wait3A_146 = tpu.memref_squeeze %dma_wait3A_145 : memref<1x1x80x125xi32, #tpu.memory_space<hbm>> -> memref<80x125xi32, #tpu.memory_space<hbm>>
      tpu.wait_dma2 semaphore(%run_scoped3A_131 : memref<!tpu.dma_semaphore, #tpu.memory_space<semaphore_mem>>) src(%dma_wait3A_146 : memref<80x125xi32, #tpu.memory_space<hbm>>) dst(%arg6 : memref<80x125xi32, #tpu.memory_space<vmem>>)
      tpu.yield
    }) : () -> ()
    %broadcast_in_dim3A = arith.constant 0.000000e+00 : f32
    %broadcast_in_dim3A_2 = vector.broadcast %broadcast_in_dim3A : f32 to vector<16xf32>
    %scan3A = arith.constant 0 : i32
    %scan3A_3 = arith.constant 0 : i32
    %scan3A_4 = arith.constant 625 : i32
    %scan3A_5 = arith.addi %scan3A_3, %scan3A_4 : i32
    %scan3A_6 = arith.constant 1 : i32
    scf.for %scan3A_131 = %scan3A_3 to %scan3A_5 step %scan3A_6  : i32 {
      %scan3A_132 = arith.constant 0 : i32
      %scan3A_133 = arith.constant 2 : i32
      %scan3A_134 = arith.addi %scan3A_132, %scan3A_133 : i32
      %scan3A_135 = arith.constant 1 : i32
      scf.for %scan3A_137 = %scan3A_132 to %scan3A_134 step %scan3A_135  : i32 {
        %mul3A_138 = arith.constant 16 : i32
        %mul3A_139 = arith.muli %scan3A_137, %mul3A_138 : i32
        %swap3A = arith.index_cast %scan3A_131 : i32 to index
        %swap3A_140 = arith.index_cast %mul3A_139 : i32 to index
        %swap3A_141 = tpu.vector_load %arg8[%swap3A, %swap3A_140] {strides = array<i32>} : memref<625x32xf32, #tpu.memory_space<vmem>>, vector<1x16xf32>,
        %swap3A_142 = vector.shape_cast %swap3A_141 : vector<1x16xf32> to vector<16xf32>
        %swap3A_143 = vector.shape_cast %broadcast_in_dim3A_2 : vector<16xf32> to vector<1x16xf32>
        tpu.vector_store %arg8[%swap3A, %swap3A_140], %swap3A_143 {strides = array<i32>} : memref<625x32xf32, #tpu.memory_space<vmem>>, vector<1x16xf32>,
      }
      %scan3A_136 = arith.constant 2 : i32
    }
    %scan3A_7 = arith.constant 625 : i32
    %mul3A_8 = arith.constant 625 : i32
    %mul3A_9 = arith.muli %arg1, %mul3A_8 : i32
    "tpu.region"() ({
      %run_scoped3A_131 = tpu.sem_alloc : memref<!tpu.dma_semaphore, #tpu.memory_space<semaphore_mem>>
      %dma_start3A_132 = arith.constant 0 : i32
      %dma_start3A_133 = tpu.memref_slice %arg9[%mul3A_9, %dma_start3A_132] : memref<10000x32xf32, #tpu.memory_space<vmem_shared>> -> memref<625x32xf32, #tpu.memory_space<vmem_shared>>
      %dma_start3A_134 = arith.constant 0 : i32
      %dma_start3A_135 = tpu.memref_slice %arg9[%mul3A_9, %dma_start3A_134] : memref<10000x32xf32, #tpu.memory_space<vmem_shared>> -> memref<625x32xf32, #tpu.memory_space<vmem_shared>>
      tpu.enqueue_dma source(%arg8 : memref<625x32xf32, #tpu.memory_space<vmem>>) target(%dma_start3A_135 : memref<625x32xf32, #tpu.memory_space<vmem_shared>>) target_semaphore(%run_scoped3A_131 : memref<!tpu.dma_semaphore, #tpu.memory_space<semaphore_mem>>)
      %dma_wait3A = arith.constant 0 : i32
      %dma_wait3A_136 = tpu.memref_slice %arg9[%mul3A_9, %dma_wait3A] : memref<10000x32xf32, #tpu.memory_space<vmem_shared>> -> memref<625x32xf32, #tpu.memory_space<vmem_shared>>
      %dma_wait3A_137 = arith.constant 0 : i32
      %dma_wait3A_138 = tpu.memref_slice %arg9[%mul3A_9, %dma_wait3A_137] : memref<10000x32xf32, #tpu.memory_space<vmem_shared>> -> memref<625x32xf32, #tpu.memory_space<vmem_shared>>
      tpu.wait_dma2 semaphore(%run_scoped3A_131 : memref<!tpu.dma_semaphore, #tpu.memory_space<semaphore_mem>>) src(%arg8 : memref<625x32xf32, #tpu.memory_space<vmem>>) dst(%dma_wait3A_138 : memref<625x32xf32, #tpu.memory_space<vmem_shared>>)
      tpu.yield
    }) : () -> ()
    %barrier3A = arith.constant 0 : index
    tpu.barrier barrier_id(%barrier3A)
    %dma_start3A = arith.constant 0 : i32
    %dma_start3A_10 = arith.constant 0 : i32
    %dma_start3A_11 = arith.constant 0 : i32
    %dma_start3A_12 = arith.constant 0 : i32
    %dma_start3A_13 = arith.constant 0 : i32
    %dma_start3A_14 = tpu.memref_slice %arg7[%dma_start3A_10, %dma_start3A_12, %dma_start3A_13] : memref<8x125x32xf32, #tpu.memory_space<vmem>> -> memref<1x125x32xf32, #tpu.memory_space<vmem>>
    %dma_start3A_15 = tpu.memref_squeeze %dma_start3A_14 : memref<1x125x32xf32, #tpu.memory_space<vmem>> -> memref<125x32xf32, #tpu.memory_space<vmem>>
    %dma_start3A_16 = arith.constant 0 : i32
    %dma_start3A_17 = tpu.memref_slice %arg5[%dma_start3A, %dma_start3A_16] : memref<80x125xi32, #tpu.memory_space<vmem>> -> memref<1x125xi32, #tpu.memory_space<vmem>>
    %dma_start3A_18 = tpu.memref_squeeze %dma_start3A_17 : memref<1x125xi32, #tpu.memory_space<vmem>> -> memref<125xi32, #tpu.memory_space<vmem>>
    %dma_start3A_19 = arith.constant 0 : i32
    %dma_start3A_20 = arith.constant 0 : i32
    %dma_start3A_21 = tpu.memref_slice %arg2[%dma_start3A_19, %dma_start3A_20] : memref<10000x32xf32, #tpu.memory_space<hbm>> -> memref<10000x32xf32, #tpu.memory_space<hbm>>
    %dma_start3A_22 = tpu.memref_slice %arg10[%dma_start3A_11] : memref<8x!tpu.dma_semaphore, #tpu.memory_space<semaphore_mem>> -> memref<1x!tpu.dma_semaphore, #tpu.memory_space<semaphore_mem>>
    %dma_start3A_23 = tpu.memref_squeeze %dma_start3A_22 : memref<1x!tpu.dma_semaphore, #tpu.memory_space<semaphore_mem>> -> memref<!tpu.dma_semaphore, #tpu.memory_space<semaphore_mem>>
    tpu.enqueue_indirect_dma source(%dma_start3A_21 : memref<10000x32xf32, #tpu.memory_space<hbm>>) target(%dma_start3A_15 : memref<125x32xf32, #tpu.memory_space<vmem>>) offsets(%dma_start3A_18 : memref<125xi32, #tpu.memory_space<vmem>>) semaphore(%dma_start3A_23 : memref<!tpu.dma_semaphore, #tpu.memory_space<semaphore_mem>>)
    %dma_start3A_24 = arith.constant 1 : i32
    %dma_start3A_25 = arith.constant 1 : i32
    %dma_start3A_26 = arith.constant 1 : i32
    %dma_start3A_27 = arith.constant 0 : i32
    %dma_start3A_28 = arith.constant 0 : i32
    %dma_start3A_29 = tpu.memref_slice %arg7[%dma_start3A_25, %dma_start3A_27, %dma_start3A_28] : memref<8x125x32xf32, #tpu.memory_space<vmem>> -> memref<1x125x32xf32, #tpu.memory_space<vmem>>
    %dma_start3A_30 = tpu.memref_squeeze %dma_start3A_29 : memref<1x125x32xf32, #tpu.memory_space<vmem>> -> memref<125x32xf32, #tpu.memory_space<vmem>>
    %dma_start3A_31 = arith.constant 0 : i32
    %dma_start3A_32 = tpu.memref_slice %arg5[%dma_start3A_24, %dma_start3A_31] : memref<80x125xi32, #tpu.memory_space<vmem>> -> memref<1x125xi32, #tpu.memory_space<vmem>>
    %dma_start3A_33 = tpu.memref_squeeze %dma_start3A_32 : memref<1x125xi32, #tpu.memory_space<vmem>> -> memref<125xi32, #tpu.memory_space<vmem>>
    %dma_start3A_34 = arith.constant 0 : i32
    %dma_start3A_35 = arith.constant 0 : i32
    %dma_start3A_36 = tpu.memref_slice %arg2[%dma_start3A_34, %dma_start3A_35] : memref<10000x32xf32, #tpu.memory_space<hbm>> -> memref<10000x32xf32, #tpu.memory_space<hbm>>
    %dma_start3A_37 = tpu.memref_slice %arg10[%dma_start3A_26] : memref<8x!tpu.dma_semaphore, #tpu.memory_space<semaphore_mem>> -> memref<1x!tpu.dma_semaphore, #tpu.memory_space<semaphore_mem>>
    %dma_start3A_38 = tpu.memref_squeeze %dma_start3A_37 : memref<1x!tpu.dma_semaphore, #tpu.memory_space<semaphore_mem>> -> memref<!tpu.dma_semaphore, #tpu.memory_space<semaphore_mem>>
    tpu.enqueue_indirect_dma source(%dma_start3A_36 : memref<10000x32xf32, #tpu.memory_space<hbm>>) target(%dma_start3A_30 : memref<125x32xf32, #tpu.memory_space<vmem>>) offsets(%dma_start3A_33 : memref<125xi32, #tpu.memory_space<vmem>>) semaphore(%dma_start3A_38 : memref<!tpu.dma_semaphore, #tpu.memory_space<semaphore_mem>>)
    %dma_start3A_39 = arith.constant 2 : i32
    %dma_start3A_40 = arith.constant 2 : i32
    %dma_start3A_41 = arith.constant 2 : i32
    %dma_start3A_42 = arith.constant 0 : i32
    %dma_start3A_43 = arith.constant 0 : i32
    %dma_start3A_44 = tpu.memref_slice %arg7[%dma_start3A_40, %dma_start3A_42, %dma_start3A_43] : memref<8x125x32xf32, #tpu.memory_space<vmem>> -> memref<1x125x32xf32, #tpu.memory_space<vmem>>
    %dma_start3A_45 = tpu.memref_squeeze %dma_start3A_44 : memref<1x125x32xf32, #tpu.memory_space<vmem>> -> memref<125x32xf32, #tpu.memory_space<vmem>>
    %dma_start3A_46 = arith.constant 0 : i32
    %dma_start3A_47 = tpu.memref_slice %arg5[%dma_start3A_39, %dma_start3A_46] : memref<80x125xi32, #tpu.memory_space<vmem>> -> memref<1x125xi32, #tpu.memory_space<vmem>>
    %dma_start3A_48 = tpu.memref_squeeze %dma_start3A_47 : memref<1x125xi32, #tpu.memory_space<vmem>> -> memref<125xi32, #tpu.memory_space<vmem>>
    %dma_start3A_49 = arith.constant 0 : i32
    %dma_start3A_50 = arith.constant 0 : i32
    %dma_start3A_51 = tpu.memref_slice %arg2[%dma_start3A_49, %dma_start3A_50] : memref<10000x32xf32, #tpu.memory_space<hbm>> -> memref<10000x32xf32, #tpu.memory_space<hbm>>
    %dma_start3A_52 = tpu.memref_slice %arg10[%dma_start3A_41] : memref<8x!tpu.dma_semaphore, #tpu.memory_space<semaphore_mem>> -> memref<1x!tpu.dma_semaphore, #tpu.memory_space<semaphore_mem>>
    %dma_start3A_53 = tpu.memref_squeeze %dma_start3A_52 : memref<1x!tpu.dma_semaphore, #tpu.memory_space<semaphore_mem>> -> memref<!tpu.dma_semaphore, #tpu.memory_space<semaphore_mem>>
    tpu.enqueue_indirect_dma source(%dma_start3A_51 : memref<10000x32xf32, #tpu.memory_space<hbm>>) target(%dma_start3A_45 : memref<125x32xf32, #tpu.memory_space<vmem>>) offsets(%dma_start3A_48 : memref<125xi32, #tpu.memory_space<vmem>>) semaphore(%dma_start3A_53 : memref<!tpu.dma_semaphore, #tpu.memory_space<semaphore_mem>>)
    %dma_start3A_54 = arith.constant 3 : i32
    %dma_start3A_55 = arith.constant 3 : i32
    %dma_start3A_56 = arith.constant 3 : i32
    %dma_start3A_57 = arith.constant 0 : i32
    %dma_start3A_58 = arith.constant 0 : i32
    %dma_start3A_59 = tpu.memref_slice %arg7[%dma_start3A_55, %dma_start3A_57, %dma_start3A_58] : memref<8x125x32xf32, #tpu.memory_space<vmem>> -> memref<1x125x32xf32, #tpu.memory_space<vmem>>
    %dma_start3A_60 = tpu.memref_squeeze %dma_start3A_59 : memref<1x125x32xf32, #tpu.memory_space<vmem>> -> memref<125x32xf32, #tpu.memory_space<vmem>>
    %dma_start3A_61 = arith.constant 0 : i32
    %dma_start3A_62 = tpu.memref_slice %arg5[%dma_start3A_54, %dma_start3A_61] : memref<80x125xi32, #tpu.memory_space<vmem>> -> memref<1x125xi32, #tpu.memory_space<vmem>>
    %dma_start3A_63 = tpu.memref_squeeze %dma_start3A_62 : memref<1x125xi32, #tpu.memory_space<vmem>> -> memref<125xi32, #tpu.memory_space<vmem>>
    %dma_start3A_64 = arith.constant 0 : i32
    %dma_start3A_65 = arith.constant 0 : i32
    %dma_start3A_66 = tpu.memref_slice %arg2[%dma_start3A_64, %dma_start3A_65] : memref<10000x32xf32, #tpu.memory_space<hbm>> -> memref<10000x32xf32, #tpu.memory_space<hbm>>
    %dma_start3A_67 = tpu.memref_slice %arg10[%dma_start3A_56] : memref<8x!tpu.dma_semaphore, #tpu.memory_space<semaphore_mem>> -> memref<1x!tpu.dma_semaphore, #tpu.memory_space<semaphore_mem>>
    %dma_start3A_68 = tpu.memref_squeeze %dma_start3A_67 : memref<1x!tpu.dma_semaphore, #tpu.memory_space<semaphore_mem>> -> memref<!tpu.dma_semaphore, #tpu.memory_space<semaphore_mem>>
    tpu.enqueue_indirect_dma source(%dma_start3A_66 : memref<10000x32xf32, #tpu.memory_space<hbm>>) target(%dma_start3A_60 : memref<125x32xf32, #tpu.memory_space<vmem>>) offsets(%dma_start3A_63 : memref<125xi32, #tpu.memory_space<vmem>>) semaphore(%dma_start3A_68 : memref<!tpu.dma_semaphore, #tpu.memory_space<semaphore_mem>>)
    %dma_start3A_69 = arith.constant 4 : i32
    %dma_start3A_70 = arith.constant 4 : i32
    %dma_start3A_71 = arith.constant 4 : i32
    %dma_start3A_72 = arith.constant 0 : i32
    %dma_start3A_73 = arith.constant 0 : i32
    %dma_start3A_74 = tpu.memref_slice %arg7[%dma_start3A_70, %dma_start3A_72, %dma_start3A_73] : memref<8x125x32xf32, #tpu.memory_space<vmem>> -> memref<1x125x32xf32, #tpu.memory_space<vmem>>
    %dma_start3A_75 = tpu.memref_squeeze %dma_start3A_74 : memref<1x125x32xf32, #tpu.memory_space<vmem>> -> memref<125x32xf32, #tpu.memory_space<vmem>>
    %dma_start3A_76 = arith.constant 0 : i32
    %dma_start3A_77 = tpu.memref_slice %arg5[%dma_start3A_69, %dma_start3A_76] : memref<80x125xi32, #tpu.memory_space<vmem>> -> memref<1x125xi32, #tpu.memory_space<vmem>>
    %dma_start3A_78 = tpu.memref_squeeze %dma_start3A_77 : memref<1x125xi32, #tpu.memory_space<vmem>> -> memref<125xi32, #tpu.memory_space<vmem>>
    %dma_start3A_79 = arith.constant 0 : i32
    %dma_start3A_80 = arith.constant 0 : i32
    %dma_start3A_81 = tpu.memref_slice %arg2[%dma_start3A_79, %dma_start3A_80] : memref<10000x32xf32, #tpu.memory_space<hbm>> -> memref<10000x32xf32, #tpu.memory_space<hbm>>
    %dma_start3A_82 = tpu.memref_slice %arg10[%dma_start3A_71] : memref<8x!tpu.dma_semaphore, #tpu.memory_space<semaphore_mem>> -> memref<1x!tpu.dma_semaphore, #tpu.memory_space<semaphore_mem>>
    %dma_start3A_83 = tpu.memref_squeeze %dma_start3A_82 : memref<1x!tpu.dma_semaphore, #tpu.memory_space<semaphore_mem>> -> memref<!tpu.dma_semaphore, #tpu.memory_space<semaphore_mem>>
    tpu.enqueue_indirect_dma source(%dma_start3A_81 : memref<10000x32xf32, #tpu.memory_space<hbm>>) target(%dma_start3A_75 : memref<125x32xf32, #tpu.memory_space<vmem>>) offsets(%dma_start3A_78 : memref<125xi32, #tpu.memory_space<vmem>>) semaphore(%dma_start3A_83 : memref<!tpu.dma_semaphore, #tpu.memory_space<semaphore_mem>>)
    %dma_start3A_84 = arith.constant 5 : i32
    %dma_start3A_85 = arith.constant 5 : i32
    %dma_start3A_86 = arith.constant 5 : i32
    %dma_start3A_87 = arith.constant 0 : i32
    %dma_start3A_88 = arith.constant 0 : i32
    %dma_start3A_89 = tpu.memref_slice %arg7[%dma_start3A_85, %dma_start3A_87, %dma_start3A_88] : memref<8x125x32xf32, #tpu.memory_space<vmem>> -> memref<1x125x32xf32, #tpu.memory_space<vmem>>
    %dma_start3A_90 = tpu.memref_squeeze %dma_start3A_89 : memref<1x125x32xf32, #tpu.memory_space<vmem>> -> memref<125x32xf32, #tpu.memory_space<vmem>>
    %dma_start3A_91 = arith.constant 0 : i32
    %dma_start3A_92 = tpu.memref_slice %arg5[%dma_start3A_84, %dma_start3A_91] : memref<80x125xi32, #tpu.memory_space<vmem>> -> memref<1x125xi32, #tpu.memory_space<vmem>>
    %dma_start3A_93 = tpu.memref_squeeze %dma_start3A_92 : memref<1x125xi32, #tpu.memory_space<vmem>> -> memref<125xi32, #tpu.memory_space<vmem>>
    %dma_start3A_94 = arith.constant 0 : i32
    %dma_start3A_95 = arith.constant 0 : i32
    %dma_start3A_96 = tpu.memref_slice %arg2[%dma_start3A_94, %dma_start3A_95] : memref<10000x32xf32, #tpu.memory_space<hbm>> -> memref<10000x32xf32, #tpu.memory_space<hbm>>
    %dma_start3A_97 = tpu.memref_slice %arg10[%dma_start3A_86] : memref<8x!tpu.dma_semaphore, #tpu.memory_space<semaphore_mem>> -> memref<1x!tpu.dma_semaphore, #tpu.memory_space<semaphore_mem>>
    %dma_start3A_98 = tpu.memref_squeeze %dma_start3A_97 : memref<1x!tpu.dma_semaphore, #tpu.memory_space<semaphore_mem>> -> memref<!tpu.dma_semaphore, #tpu.memory_space<semaphore_mem>>
    tpu.enqueue_indirect_dma source(%dma_start3A_96 : memref<10000x32xf32, #tpu.memory_space<hbm>>) target(%dma_start3A_90 : memref<125x32xf32, #tpu.memory_space<vmem>>) offsets(%dma_start3A_93 : memref<125xi32, #tpu.memory_space<vmem>>) semaphore(%dma_start3A_98 : memref<!tpu.dma_semaphore, #tpu.memory_space<semaphore_mem>>)
    %dma_start3A_99 = arith.constant 6 : i32
    %dma_start3A_100 = arith.constant 6 : i32
    %dma_start3A_101 = arith.constant 6 : i32
    %dma_start3A_102 = arith.constant 0 : i32
    %dma_start3A_103 = arith.constant 0 : i32
    %dma_start3A_104 = tpu.memref_slice %arg7[%dma_start3A_100, %dma_start3A_102, %dma_start3A_103] : memref<8x125x32xf32, #tpu.memory_space<vmem>> -> memref<1x125x32xf32, #tpu.memory_space<vmem>>
    %dma_start3A_105 = tpu.memref_squeeze %dma_start3A_104 : memref<1x125x32xf32, #tpu.memory_space<vmem>> -> memref<125x32xf32, #tpu.memory_space<vmem>>
    %dma_start3A_106 = arith.constant 0 : i32
    %dma_start3A_107 = tpu.memref_slice %arg5[%dma_start3A_99, %dma_start3A_106] : memref<80x125xi32, #tpu.memory_space<vmem>> -> memref<1x125xi32, #tpu.memory_space<vmem>>
    %dma_start3A_108 = tpu.memref_squeeze %dma_start3A_107 : memref<1x125xi32, #tpu.memory_space<vmem>> -> memref<125xi32, #tpu.memory_space<vmem>>
    %dma_start3A_109 = arith.constant 0 : i32
    %dma_start3A_110 = arith.constant 0 : i32
    %dma_start3A_111 = tpu.memref_slice %arg2[%dma_start3A_109, %dma_start3A_110] : memref<10000x32xf32, #tpu.memory_space<hbm>> -> memref<10000x32xf32, #tpu.memory_space<hbm>>
    %dma_start3A_112 = tpu.memref_slice %arg10[%dma_start3A_101] : memref<8x!tpu.dma_semaphore, #tpu.memory_space<semaphore_mem>> -> memref<1x!tpu.dma_semaphore, #tpu.memory_space<semaphore_mem>>
    %dma_start3A_113 = tpu.memref_squeeze %dma_start3A_112 : memref<1x!tpu.dma_semaphore, #tpu.memory_space<semaphore_mem>> -> memref<!tpu.dma_semaphore, #tpu.memory_space<semaphore_mem>>
    tpu.enqueue_indirect_dma source(%dma_start3A_111 : memref<10000x32xf32, #tpu.memory_space<hbm>>) target(%dma_start3A_105 : memref<125x32xf32, #tpu.memory_space<vmem>>) offsets(%dma_start3A_108 : memref<125xi32, #tpu.memory_space<vmem>>) semaphore(%dma_start3A_113 : memref<!tpu.dma_semaphore, #tpu.memory_space<semaphore_mem>>)
    %scan3A_114 = arith.constant 0 : i32
    %scan3A_115 = arith.constant 0 : i32
    %scan3A_116 = arith.constant 80 : i32
    %scan3A_117 = arith.addi %scan3A_115, %scan3A_116 : i32
    %scan3A_118 = arith.constant 1 : i32
    scf.for %scan3A_131 = %scan3A_115 to %scan3A_117 step %scan3A_118  : i32 {
      %rem3A = arith.constant 8 : i32
      %rem3A_132 = arith.remsi %scan3A_131, %rem3A : i32
      %dma_wait3A = arith.constant 0 : i32
      %dma_wait3A_133 = arith.constant 0 : i32
      %dma_wait3A_134 = tpu.memref_slice %arg7[%rem3A_132, %dma_wait3A, %dma_wait3A_133] : memref<8x125x32xf32, #tpu.memory_space<vmem>> -> memref<1x125x32xf32, #tpu.memory_space<vmem>>
      %dma_wait3A_135 = tpu.memref_squeeze %dma_wait3A_134 : memref<1x125x32xf32, #tpu.memory_space<vmem>> -> memref<125x32xf32, #tpu.memory_space<vmem>>
      %dma_wait3A_136 = arith.constant 0 : i32
      %dma_wait3A_137 = tpu.memref_slice %arg5[%scan3A_131, %dma_wait3A_136] : memref<80x125xi32, #tpu.memory_space<vmem>> -> memref<1x125xi32, #tpu.memory_space<vmem>>
      %dma_wait3A_138 = tpu.memref_squeeze %dma_wait3A_137 : memref<1x125xi32, #tpu.memory_space<vmem>> -> memref<125xi32, #tpu.memory_space<vmem>>
      %dma_wait3A_139 = arith.constant 0 : i32
      %dma_wait3A_140 = arith.constant 0 : i32
      %dma_wait3A_141 = tpu.memref_slice %arg2[%dma_wait3A_139, %dma_wait3A_140] : memref<10000x32xf32, #tpu.memory_space<hbm>> -> memref<10000x32xf32, #tpu.memory_space<hbm>>
      %dma_wait3A_142 = tpu.memref_slice %arg10[%rem3A_132] : memref<8x!tpu.dma_semaphore, #tpu.memory_space<semaphore_mem>> -> memref<1x!tpu.dma_semaphore, #tpu.memory_space<semaphore_mem>>
      %dma_wait3A_143 = tpu.memref_squeeze %dma_wait3A_142 : memref<1x!tpu.dma_semaphore, #tpu.memory_space<semaphore_mem>> -> memref<!tpu.dma_semaphore, #tpu.memory_space<semaphore_mem>>
      tpu.wait_indirect_dma semaphore(%dma_wait3A_143 : memref<!tpu.dma_semaphore, #tpu.memory_space<semaphore_mem>>) src(%dma_wait3A_141 : memref<10000x32xf32, #tpu.memory_space<hbm>>) dst(%dma_wait3A_135 : memref<125x32xf32, #tpu.memory_space<vmem>>)
      %dma_start3A_144 = arith.constant 0 : i32
      %dma_start3A_145 = arith.constant 0 : i32
      %dma_start3A_146 = tpu.memref_slice %arg7[%rem3A_132, %dma_start3A_144, %dma_start3A_145] : memref<8x125x32xf32, #tpu.memory_space<vmem>> -> memref<1x125x32xf32, #tpu.memory_space<vmem>>
      %dma_start3A_147 = tpu.memref_squeeze %dma_start3A_146 : memref<1x125x32xf32, #tpu.memory_space<vmem>> -> memref<125x32xf32, #tpu.memory_space<vmem>>
      %dma_start3A_148 = arith.constant 0 : i32
      %dma_start3A_149 = tpu.memref_slice %arg6[%scan3A_131, %dma_start3A_148] : memref<80x125xi32, #tpu.memory_space<vmem>> -> memref<1x125xi32, #tpu.memory_space<vmem>>
      %dma_start3A_150 = tpu.memref_squeeze %dma_start3A_149 : memref<1x125xi32, #tpu.memory_space<vmem>> -> memref<125xi32, #tpu.memory_space<vmem>>
      %dma_start3A_151 = arith.constant 0 : i32
      %dma_start3A_152 = arith.constant 0 : i32
      %dma_start3A_153 = tpu.memref_slice %arg9[%dma_start3A_151, %dma_start3A_152] : memref<10000x32xf32, #tpu.memory_space<vmem_shared>> -> memref<10000x32xf32, #tpu.memory_space<vmem_shared>>
      %dma_start3A_154 = tpu.memref_slice %arg11[%rem3A_132] : memref<8x!tpu.dma_semaphore, #tpu.memory_space<semaphore_mem>> -> memref<1x!tpu.dma_semaphore, #tpu.memory_space<semaphore_mem>>
      %dma_start3A_155 = tpu.memref_squeeze %dma_start3A_154 : memref<1x!tpu.dma_semaphore, #tpu.memory_space<semaphore_mem>> -> memref<!tpu.dma_semaphore, #tpu.memory_space<semaphore_mem>>
      tpu.enqueue_indirect_dma source(%dma_start3A_147 : memref<125x32xf32, #tpu.memory_space<vmem>>) target(%dma_start3A_153 : memref<10000x32xf32, #tpu.memory_space<vmem_shared>>) offsets(%dma_start3A_150 : memref<125xi32, #tpu.memory_space<vmem>>) semaphore(%dma_start3A_155 : memref<!tpu.dma_semaphore, #tpu.memory_space<semaphore_mem>>) {add = true}
      %add3A_156 = arith.constant 8 : i32
      %add3A_157 = arith.addi %scan3A_131, %add3A_156 : i32
      %sub3A = arith.constant 1 : i32
      %sub3A_158 = arith.subi %add3A_157, %sub3A : i32
      %lt3A = arith.constant 80 : i32
      %lt3A_159 = arith.cmpi slt, %sub3A_158, %lt3A : i32
      %convert_element_type3A = arith.extui %lt3A_159 : i1 to i32
      %cond3A = arith.constant 0 : i32
      %cond3A_160 = arith.cmpi ne, %convert_element_type3A, %cond3A : i32
      scf.if %cond3A_160 {
        %rem3A_161 = arith.constant 8 : i32
        %rem3A_162 = arith.remsi %sub3A_158, %rem3A_161 : i32
        %ge3A = arith.constant 1 : i32
        %ge3A_163 = arith.cmpi sge, %scan3A_131, %ge3A : i32
        %convert_element_type3A_164 = arith.extui %ge3A_163 : i1 to i32
        %cond3A_165 = arith.constant 0 : i32
        %cond3A_166 = arith.cmpi ne, %convert_element_type3A_164, %cond3A_165 : i32
        scf.if %cond3A_166 {
          %sub3A_179 = arith.constant 1 : i32
          %sub3A_180 = arith.subi %scan3A_131, %sub3A_179 : i32
          %dma_wait3A_181 = arith.constant 0 : i32
          %dma_wait3A_182 = arith.constant 0 : i32
          %dma_wait3A_183 = tpu.memref_slice %arg7[%rem3A_162, %dma_wait3A_181, %dma_wait3A_182] : memref<8x125x32xf32, #tpu.memory_space<vmem>> -> memref<1x125x32xf32, #tpu.memory_space<vmem>>
          %dma_wait3A_184 = tpu.memref_squeeze %dma_wait3A_183 : memref<1x125x32xf32, #tpu.memory_space<vmem>> -> memref<125x32xf32, #tpu.memory_space<vmem>>
          %dma_wait3A_185 = arith.constant 0 : i32
          %dma_wait3A_186 = tpu.memref_slice %arg6[%sub3A_180, %dma_wait3A_185] : memref<80x125xi32, #tpu.memory_space<vmem>> -> memref<1x125xi32, #tpu.memory_space<vmem>>
          %dma_wait3A_187 = tpu.memref_squeeze %dma_wait3A_186 : memref<1x125xi32, #tpu.memory_space<vmem>> -> memref<125xi32, #tpu.memory_space<vmem>>
          %dma_wait3A_188 = arith.constant 0 : i32
          %dma_wait3A_189 = arith.constant 0 : i32
          %dma_wait3A_190 = tpu.memref_slice %arg9[%dma_wait3A_188, %dma_wait3A_189] : memref<10000x32xf32, #tpu.memory_space<vmem_shared>> -> memref<10000x32xf32, #tpu.memory_space<vmem_shared>>
          %dma_wait3A_191 = tpu.memref_slice %arg11[%rem3A_162] : memref<8x!tpu.dma_semaphore, #tpu.memory_space<semaphore_mem>> -> memref<1x!tpu.dma_semaphore, #tpu.memory_space<semaphore_mem>>
          %dma_wait3A_192 = tpu.memref_squeeze %dma_wait3A_191 : memref<1x!tpu.dma_semaphore, #tpu.memory_space<semaphore_mem>> -> memref<!tpu.dma_semaphore, #tpu.memory_space<semaphore_mem>>
          tpu.wait_indirect_dma semaphore(%dma_wait3A_192 : memref<!tpu.dma_semaphore, #tpu.memory_space<semaphore_mem>>) src(%dma_wait3A_184 : memref<125x32xf32, #tpu.memory_space<vmem>>) dst(%dma_wait3A_190 : memref<10000x32xf32, #tpu.memory_space<vmem_shared>>)
        } else {
        }
        %dma_start3A_167 = arith.constant 0 : i32
        %dma_start3A_168 = arith.constant 0 : i32
        %dma_start3A_169 = tpu.memref_slice %arg7[%rem3A_162, %dma_start3A_167, %dma_start3A_168] : memref<8x125x32xf32, #tpu.memory_space<vmem>> -> memref<1x125x32xf32, #tpu.memory_space<vmem>>
        %dma_start3A_170 = tpu.memref_squeeze %dma_start3A_169 : memref<1x125x32xf32, #tpu.memory_space<vmem>> -> memref<125x32xf32, #tpu.memory_space<vmem>>
        %dma_start3A_171 = arith.constant 0 : i32
        %dma_start3A_172 = tpu.memref_slice %arg5[%sub3A_158, %dma_start3A_171] : memref<80x125xi32, #tpu.memory_space<vmem>> -> memref<1x125xi32, #tpu.memory_space<vmem>>
        %dma_start3A_173 = tpu.memref_squeeze %dma_start3A_172 : memref<1x125xi32, #tpu.memory_space<vmem>> -> memref<125xi32, #tpu.memory_space<vmem>>
        %dma_start3A_174 = arith.constant 0 : i32
        %dma_start3A_175 = arith.constant 0 : i32
        %dma_start3A_176 = tpu.memref_slice %arg2[%dma_start3A_174, %dma_start3A_175] : memref<10000x32xf32, #tpu.memory_space<hbm>> -> memref<10000x32xf32, #tpu.memory_space<hbm>>
        %dma_start3A_177 = tpu.memref_slice %arg10[%rem3A_162] : memref<8x!tpu.dma_semaphore, #tpu.memory_space<semaphore_mem>> -> memref<1x!tpu.dma_semaphore, #tpu.memory_space<semaphore_mem>>
        %dma_start3A_178 = tpu.memref_squeeze %dma_start3A_177 : memref<1x!tpu.dma_semaphore, #tpu.memory_space<semaphore_mem>> -> memref<!tpu.dma_semaphore, #tpu.memory_space<semaphore_mem>>
        tpu.enqueue_indirect_dma source(%dma_start3A_176 : memref<10000x32xf32, #tpu.memory_space<hbm>>) target(%dma_start3A_170 : memref<125x32xf32, #tpu.memory_space<vmem>>) offsets(%dma_start3A_173 : memref<125xi32, #tpu.memory_space<vmem>>) semaphore(%dma_start3A_178 : memref<!tpu.dma_semaphore, #tpu.memory_space<semaphore_mem>>)
      } else {
      }
    }
    %scan3A_119 = arith.constant 80 : i32
    %scan3A_120 = arith.constant 0 : i32
    %scan3A_121 = arith.constant 0 : i32
    %scan3A_122 = arith.constant 8 : i32
    %scan3A_123 = arith.addi %scan3A_121, %scan3A_122 : i32
    %scan3A_124 = arith.constant 1 : i32
    scf.for %scan3A_131 = %scan3A_121 to %scan3A_123 step %scan3A_124  : i32 {
      %add3A_132 = arith.constant 72 : i32
      %add3A_133 = arith.addi %add3A_132, %scan3A_131 : i32
      %rem3A = arith.constant 8 : i32
      %rem3A_134 = arith.remsi %add3A_133, %rem3A : i32
      %dma_wait3A = arith.constant 0 : i32
      %dma_wait3A_135 = arith.constant 0 : i32
      %dma_wait3A_136 = tpu.memref_slice %arg7[%rem3A_134, %dma_wait3A, %dma_wait3A_135] : memref<8x125x32xf32, #tpu.memory_space<vmem>> -> memref<1x125x32xf32, #tpu.memory_space<vmem>>
      %dma_wait3A_137 = tpu.memref_squeeze %dma_wait3A_136 : memref<1x125x32xf32, #tpu.memory_space<vmem>> -> memref<125x32xf32, #tpu.memory_space<vmem>>
      %dma_wait3A_138 = arith.constant 0 : i32
      %dma_wait3A_139 = tpu.memref_slice %arg6[%add3A_133, %dma_wait3A_138] : memref<80x125xi32, #tpu.memory_space<vmem>> -> memref<1x125xi32, #tpu.memory_space<vmem>>
      %dma_wait3A_140 = tpu.memref_squeeze %dma_wait3A_139 : memref<1x125xi32, #tpu.memory_space<vmem>> -> memref<125xi32, #tpu.memory_space<vmem>>
      %dma_wait3A_141 = arith.constant 0 : i32
      %dma_wait3A_142 = arith.constant 0 : i32
      %dma_wait3A_143 = tpu.memref_slice %arg9[%dma_wait3A_141, %dma_wait3A_142] : memref<10000x32xf32, #tpu.memory_space<vmem_shared>> -> memref<10000x32xf32, #tpu.memory_space<vmem_shared>>
      %dma_wait3A_144 = tpu.memref_slice %arg11[%rem3A_134] : memref<8x!tpu.dma_semaphore, #tpu.memory_space<semaphore_mem>> -> memref<1x!tpu.dma_semaphore, #tpu.memory_space<semaphore_mem>>
      %dma_wait3A_145 = tpu.memref_squeeze %dma_wait3A_144 : memref<1x!tpu.dma_semaphore, #tpu.memory_space<semaphore_mem>> -> memref<!tpu.dma_semaphore, #tpu.memory_space<semaphore_mem>>
      tpu.wait_indirect_dma semaphore(%dma_wait3A_145 : memref<!tpu.dma_semaphore, #tpu.memory_space<semaphore_mem>>) src(%dma_wait3A_137 : memref<125x32xf32, #tpu.memory_space<vmem>>) dst(%dma_wait3A_143 : memref<10000x32xf32, #tpu.memory_space<vmem_shared>>)
    }
    %scan3A_125 = arith.constant 8 : i32
    %barrier3A_126 = arith.constant 0 : index
    tpu.barrier barrier_id(%barrier3A_126)
    %mul3A_127 = arith.constant 625 : i32
    %mul3A_128 = arith.muli %arg1, %mul3A_127 : i32
    %mul3A_129 = arith.constant 625 : i32
    %mul3A_130 = arith.muli %arg1, %mul3A_129 : i32
    "tpu.region"() ({
      %run_scoped3A_131 = tpu.sem_alloc : memref<!tpu.dma_semaphore, #tpu.memory_space<semaphore_mem>>
      %dma_start3A_132 = arith.constant 0 : i32
      %dma_start3A_133 = tpu.memref_slice %arg4[%arg0, %mul3A_130, %dma_start3A_132] : memref<2x10000x32xf32, #tpu.memory_space<hbm>> -> memref<1x625x32xf32, #tpu.memory_space<hbm>>
      %dma_start3A_134 = tpu.memref_squeeze %dma_start3A_133 : memref<1x625x32xf32, #tpu.memory_space<hbm>> -> memref<625x32xf32, #tpu.memory_space<hbm>>
      %dma_start3A_135 = arith.constant 0 : i32
      %dma_start3A_136 = tpu.memref_slice %arg9[%mul3A_128, %dma_start3A_135] : memref<10000x32xf32, #tpu.memory_space<vmem_shared>> -> memref<625x32xf32, #tpu.memory_space<vmem_shared>>
      tpu.enqueue_dma source(%dma_start3A_136 : memref<625x32xf32, #tpu.memory_space<vmem_shared>>) target(%dma_start3A_134 : memref<625x32xf32, #tpu.memory_space<hbm>>) target_semaphore(%run_scoped3A_131 : memref<!tpu.dma_semaphore, #tpu.memory_space<semaphore_mem>>)
      %dma_wait3A = arith.constant 0 : i32
      %dma_wait3A_137 = tpu.memref_slice %arg4[%arg0, %mul3A_130, %dma_wait3A] : memref<2x10000x32xf32, #tpu.memory_space<hbm>> -> memref<1x625x32xf32, #tpu.memory_space<hbm>>
      %dma_wait3A_138 = tpu.memref_squeeze %dma_wait3A_137 : memref<1x625x32xf32, #tpu.memory_space<hbm>> -> memref<625x32xf32, #tpu.memory_space<hbm>>
      %dma_wait3A_139 = arith.constant 0 : i32
      %dma_wait3A_140 = tpu.memref_slice %arg9[%mul3A_128, %dma_wait3A_139] : memref<10000x32xf32, #tpu.memory_space<vmem_shared>> -> memref<625x32xf32, #tpu.memory_space<vmem_shared>>
      tpu.wait_dma2 semaphore(%run_scoped3A_131 : memref<!tpu.dma_semaphore, #tpu.memory_space<semaphore_mem>>) src(%dma_wait3A_140 : memref<625x32xf32, #tpu.memory_space<vmem_shared>>) dst(%dma_wait3A_138 : memref<625x32xf32, #tpu.memory_space<hbm>>)
      tpu.yield
    }) : () -> ()
    return
  }
}

#map = affine_map<(d0, d1) -> (0, 0)>
#map1 = affine_map<(d0, d1) -> (0, 0, 0, 0)>
#map2 = affine_map<(d0, d1) -> (0, 0, 0)>
module attributes {stable_mosaic.version = 14 : i64} {
  func.func @body(%arg0: i32, %arg1: i32, %arg2: memref<10000x16xf32, #tpu.memory_space<hbm>>, %arg3: memref<2x32x80x125xi32, #tpu.memory_space<hbm>>, %arg4: memref<2x10000x16xf32, #tpu.memory_space<hbm>>, %arg5: memref<80x125xi32, #tpu.memory_space<vmem>>, %arg6: memref<80x125xi32, #tpu.memory_space<vmem>>, %arg7: memref<8x125x16xf32, #tpu.memory_space<vmem>>, %arg8: memref<625x16xf32, #tpu.memory_space<vmem>>, %arg9: memref<10000x16xf32, #tpu.memory_space<vmem_shared>>, %arg10: memref<8x!tpu.dma_semaphore, #tpu.memory_space<semaphore_mem>>, %arg11: memref<8x!tpu.dma_semaphore, #tpu.memory_space<semaphore_mem>>) attributes {dimension_semantics = [#tpu.dimension_semantics<core_parallel>, #tpu.dimension_semantics<subcore_parallel>], iteration_bounds = array<i64: 2, 16>, scalar_prefetch = 0 : i64, scratch_operands = 7 : i64, tpu.core_type = #tpu.core_type<sc_vector_subcore>, window_params = [{transform_indices = #map}, {transform_indices = #map1}, {transform_indices = #map2}]} {
    %mul3A = arith.constant 2 : i32
    %mul3A_0 = arith.muli %arg1, %mul3A : i32
    %add3A = arith.addi %mul3A_0, %arg0 : i32
    %run_scoped3A = arith.constant 0 : i32
    "tpu.region"() ({
      %run_scoped3A_131 = tpu.sem_alloc : memref<!tpu.dma_semaphore, #tpu.memory_space<semaphore_mem>>
      %dma_start3A_132 = arith.constant 0 : i32
      %dma_start3A_133 = arith.constant 0 : i32
      %dma_start3A_134 = tpu.memref_slice %arg3[%run_scoped3A, %add3A, %dma_start3A_132, %dma_start3A_133] : memref<2x32x80x125xi32, #tpu.memory_space<hbm>> -> memref<1x1x80x125xi32, #tpu.memory_space<hbm>>
      %dma_start3A_135 = tpu.memref_squeeze %dma_start3A_134 : memref<1x1x80x125xi32, #tpu.memory_space<hbm>> -> memref<80x125xi32, #tpu.memory_space<hbm>>
      %dma_start3A_136 = arith.constant 0 : i32
      %dma_start3A_137 = arith.constant 0 : i32
      %dma_start3A_138 = tpu.memref_slice %arg3[%run_scoped3A, %add3A, %dma_start3A_136, %dma_start3A_137] : memref<2x32x80x125xi32, #tpu.memory_space<hbm>> -> memref<1x1x80x125xi32, #tpu.memory_space<hbm>>
      %dma_start3A_139 = tpu.memref_squeeze %dma_start3A_138 : memref<1x1x80x125xi32, #tpu.memory_space<hbm>> -> memref<80x125xi32, #tpu.memory_space<hbm>>
      tpu.enqueue_dma source(%dma_start3A_139 : memref<80x125xi32, #tpu.memory_space<hbm>>) target(%arg5 : memref<80x125xi32, #tpu.memory_space<vmem>>) target_semaphore(%run_scoped3A_131 : memref<!tpu.dma_semaphore, #tpu.memory_space<semaphore_mem>>)
      %dma_wait3A = arith.constant 0 : i32
      %dma_wait3A_140 = arith.constant 0 : i32
      %dma_wait3A_141 = tpu.memref_slice %arg3[%run_scoped3A, %add3A, %dma_wait3A, %dma_wait3A_140] : memref<2x32x80x125xi32, #tpu.memory_space<hbm>> -> memref<1x1x80x125xi32, #tpu.memory_space<hbm>>
      %dma_wait3A_142 = tpu.memref_squeeze %dma_wait3A_141 : memref<1x1x80x125xi32, #tpu.memory_space<hbm>> -> memref<80x125xi32, #tpu.memory_space<hbm>>
      %dma_wait3A_143 = arith.constant 0 : i32
      %dma_wait3A_144 = arith.constant 0 : i32
      %dma_wait3A_145 = tpu.memref_slice %arg3[%run_scoped3A, %add3A, %dma_wait3A_143, %dma_wait3A_144] : memref<2x32x80x125xi32, #tpu.memory_space<hbm>> -> memref<1x1x80x125xi32, #tpu.memory_space<hbm>>
      %dma_wait3A_146 = tpu.memref_squeeze %dma_wait3A_145 : memref<1x1x80x125xi32, #tpu.memory_space<hbm>> -> memref<80x125xi32, #tpu.memory_space<hbm>>
      tpu.wait_dma2 semaphore(%run_scoped3A_131 : memref<!tpu.dma_semaphore, #tpu.memory_space<semaphore_mem>>) src(%dma_wait3A_146 : memref<80x125xi32, #tpu.memory_space<hbm>>) dst(%arg5 : memref<80x125xi32, #tpu.memory_space<vmem>>)
      tpu.yield
    }) : () -> ()
    %run_scoped3A_1 = arith.constant 1 : i32
    "tpu.region"() ({
      %run_scoped3A_131 = tpu.sem_alloc : memref<!tpu.dma_semaphore, #tpu.memory_space<semaphore_mem>>
      %dma_start3A_132 = arith.constant 0 : i32
      %dma_start3A_133 = arith.constant 0 : i32
      %dma_start3A_134 = tpu.memref_slice %arg3[%run_scoped3A_1, %add3A, %dma_start3A_132, %dma_start3A_133] : memref<2x32x80x125xi32, #tpu.memory_space<hbm>> -> memref<1x1x80x125xi32, #tpu.memory_space<hbm>>
      %dma_start3A_135 = tpu.memref_squeeze %dma_start3A_134 : memref<1x1x80x125xi32, #tpu.memory_space<hbm>> -> memref<80x125xi32, #tpu.memory_space<hbm>>
      %dma_start3A_136 = arith.constant 0 : i32
      %dma_start3A_137 = arith.constant 0 : i32
      %dma_start3A_138 = tpu.memref_slice %arg3[%run_scoped3A_1, %add3A, %dma_start3A_136, %dma_start3A_137] : memref<2x32x80x125xi32, #tpu.memory_space<hbm>> -> memref<1x1x80x125xi32, #tpu.memory_space<hbm>>
      %dma_start3A_139 = tpu.memref_squeeze %dma_start3A_138 : memref<1x1x80x125xi32, #tpu.memory_space<hbm>> -> memref<80x125xi32, #tpu.memory_space<hbm>>
      tpu.enqueue_dma source(%dma_start3A_139 : memref<80x125xi32, #tpu.memory_space<hbm>>) target(%arg6 : memref<80x125xi32, #tpu.memory_space<vmem>>) target_semaphore(%run_scoped3A_131 : memref<!tpu.dma_semaphore, #tpu.memory_space<semaphore_mem>>)
      %dma_wait3A = arith.constant 0 : i32
      %dma_wait3A_140 = arith.constant 0 : i32
      %dma_wait3A_141 = tpu.memref_slice %arg3[%run_scoped3A_1, %add3A, %dma_wait3A, %dma_wait3A_140] : memref<2x32x80x125xi32, #tpu.memory_space<hbm>> -> memref<1x1x80x125xi32, #tpu.memory_space<hbm>>
      %dma_wait3A_142 = tpu.memref_squeeze %dma_wait3A_141 : memref<1x1x80x125xi32, #tpu.memory_space<hbm>> -> memref<80x125xi32, #tpu.memory_space<hbm>>
      %dma_wait3A_143 = arith.constant 0 : i32
      %dma_wait3A_144 = arith.constant 0 : i32
      %dma_wait3A_145 = tpu.memref_slice %arg3[%run_scoped3A_1, %add3A, %dma_wait3A_143, %dma_wait3A_144] : memref<2x32x80x125xi32, #tpu.memory_space<hbm>> -> memref<1x1x80x125xi32, #tpu.memory_space<hbm>>
      %dma_wait3A_146 = tpu.memref_squeeze %dma_wait3A_145 : memref<1x1x80x125xi32, #tpu.memory_space<hbm>> -> memref<80x125xi32, #tpu.memory_space<hbm>>
      tpu.wait_dma2 semaphore(%run_scoped3A_131 : memref<!tpu.dma_semaphore, #tpu.memory_space<semaphore_mem>>) src(%dma_wait3A_146 : memref<80x125xi32, #tpu.memory_space<hbm>>) dst(%arg6 : memref<80x125xi32, #tpu.memory_space<vmem>>)
      tpu.yield
    }) : () -> ()
    %broadcast_in_dim3A = arith.constant 0.000000e+00 : f32
    %broadcast_in_dim3A_2 = vector.broadcast %broadcast_in_dim3A : f32 to vector<16xf32>
    %scan3A = arith.constant 0 : i32
    %scan3A_3 = arith.constant 0 : i32
    %scan3A_4 = arith.constant 625 : i32
    %scan3A_5 = arith.addi %scan3A_3, %scan3A_4 : i32
    %scan3A_6 = arith.constant 1 : i32
    scf.for %scan3A_131 = %scan3A_3 to %scan3A_5 step %scan3A_6  : i32 {
      %scan3A_132 = arith.constant 0 : i32
      %mul3A_133 = arith.constant 16 : i32
      %mul3A_134 = arith.muli %scan3A_132, %mul3A_133 : i32
      %swap3A = arith.index_cast %scan3A_131 : i32 to index
      %swap3A_135 = arith.index_cast %mul3A_134 : i32 to index
      %swap3A_136 = tpu.vector_load %arg8[%swap3A, %swap3A_135] {strides = array<i32>} : memref<625x16xf32, #tpu.memory_space<vmem>>, vector<1x16xf32>,
      %swap3A_137 = vector.shape_cast %swap3A_136 : vector<1x16xf32> to vector<16xf32>
      %swap3A_138 = vector.shape_cast %broadcast_in_dim3A_2 : vector<16xf32> to vector<1x16xf32>
      tpu.vector_store %arg8[%swap3A, %swap3A_135], %swap3A_138 {strides = array<i32>} : memref<625x16xf32, #tpu.memory_space<vmem>>, vector<1x16xf32>,
      %scan3A_139 = arith.constant 1 : i32
    }
    %scan3A_7 = arith.constant 625 : i32
    %mul3A_8 = arith.constant 625 : i32
    %mul3A_9 = arith.muli %arg1, %mul3A_8 : i32
    "tpu.region"() ({
      %run_scoped3A_131 = tpu.sem_alloc : memref<!tpu.dma_semaphore, #tpu.memory_space<semaphore_mem>>
      %dma_start3A_132 = arith.constant 0 : i32
      %dma_start3A_133 = tpu.memref_slice %arg9[%mul3A_9, %dma_start3A_132] : memref<10000x16xf32, #tpu.memory_space<vmem_shared>> -> memref<625x16xf32, #tpu.memory_space<vmem_shared>>
      %dma_start3A_134 = arith.constant 0 : i32
      %dma_start3A_135 = tpu.memref_slice %arg9[%mul3A_9, %dma_start3A_134] : memref<10000x16xf32, #tpu.memory_space<vmem_shared>> -> memref<625x16xf32, #tpu.memory_space<vmem_shared>>
      tpu.enqueue_dma source(%arg8 : memref<625x16xf32, #tpu.memory_space<vmem>>) target(%dma_start3A_135 : memref<625x16xf32, #tpu.memory_space<vmem_shared>>) target_semaphore(%run_scoped3A_131 : memref<!tpu.dma_semaphore, #tpu.memory_space<semaphore_mem>>)
      %dma_wait3A = arith.constant 0 : i32
      %dma_wait3A_136 = tpu.memref_slice %arg9[%mul3A_9, %dma_wait3A] : memref<10000x16xf32, #tpu.memory_space<vmem_shared>> -> memref<625x16xf32, #tpu.memory_space<vmem_shared>>
      %dma_wait3A_137 = arith.constant 0 : i32
      %dma_wait3A_138 = tpu.memref_slice %arg9[%mul3A_9, %dma_wait3A_137] : memref<10000x16xf32, #tpu.memory_space<vmem_shared>> -> memref<625x16xf32, #tpu.memory_space<vmem_shared>>
      tpu.wait_dma2 semaphore(%run_scoped3A_131 : memref<!tpu.dma_semaphore, #tpu.memory_space<semaphore_mem>>) src(%arg8 : memref<625x16xf32, #tpu.memory_space<vmem>>) dst(%dma_wait3A_138 : memref<625x16xf32, #tpu.memory_space<vmem_shared>>)
      tpu.yield
    }) : () -> ()
    %barrier3A = arith.constant 0 : index
    tpu.barrier barrier_id(%barrier3A)
    %dma_start3A = arith.constant 0 : i32
    %dma_start3A_10 = arith.constant 0 : i32
    %dma_start3A_11 = arith.constant 0 : i32
    %dma_start3A_12 = arith.constant 0 : i32
    %dma_start3A_13 = arith.constant 0 : i32
    %dma_start3A_14 = tpu.memref_slice %arg7[%dma_start3A_10, %dma_start3A_12, %dma_start3A_13] : memref<8x125x16xf32, #tpu.memory_space<vmem>> -> memref<1x125x16xf32, #tpu.memory_space<vmem>>
    %dma_start3A_15 = tpu.memref_squeeze %dma_start3A_14 : memref<1x125x16xf32, #tpu.memory_space<vmem>> -> memref<125x16xf32, #tpu.memory_space<vmem>>
    %dma_start3A_16 = arith.constant 0 : i32
    %dma_start3A_17 = tpu.memref_slice %arg5[%dma_start3A, %dma_start3A_16] : memref<80x125xi32, #tpu.memory_space<vmem>> -> memref<1x125xi32, #tpu.memory_space<vmem>>
    %dma_start3A_18 = tpu.memref_squeeze %dma_start3A_17 : memref<1x125xi32, #tpu.memory_space<vmem>> -> memref<125xi32, #tpu.memory_space<vmem>>
    %dma_start3A_19 = arith.constant 0 : i32
    %dma_start3A_20 = arith.constant 0 : i32
    %dma_start3A_21 = tpu.memref_slice %arg2[%dma_start3A_19, %dma_start3A_20] : memref<10000x16xf32, #tpu.memory_space<hbm>> -> memref<10000x16xf32, #tpu.memory_space<hbm>>
    %dma_start3A_22 = tpu.memref_slice %arg10[%dma_start3A_11] : memref<8x!tpu.dma_semaphore, #tpu.memory_space<semaphore_mem>> -> memref<1x!tpu.dma_semaphore, #tpu.memory_space<semaphore_mem>>
    %dma_start3A_23 = tpu.memref_squeeze %dma_start3A_22 : memref<1x!tpu.dma_semaphore, #tpu.memory_space<semaphore_mem>> -> memref<!tpu.dma_semaphore, #tpu.memory_space<semaphore_mem>>
    tpu.enqueue_indirect_dma source(%dma_start3A_21 : memref<10000x16xf32, #tpu.memory_space<hbm>>) target(%dma_start3A_15 : memref<125x16xf32, #tpu.memory_space<vmem>>) offsets(%dma_start3A_18 : memref<125xi32, #tpu.memory_space<vmem>>) semaphore(%dma_start3A_23 : memref<!tpu.dma_semaphore, #tpu.memory_space<semaphore_mem>>)
    %dma_start3A_24 = arith.constant 1 : i32
    %dma_start3A_25 = arith.constant 1 : i32
    %dma_start3A_26 = arith.constant 1 : i32
    %dma_start3A_27 = arith.constant 0 : i32
    %dma_start3A_28 = arith.constant 0 : i32
    %dma_start3A_29 = tpu.memref_slice %arg7[%dma_start3A_25, %dma_start3A_27, %dma_start3A_28] : memref<8x125x16xf32, #tpu.memory_space<vmem>> -> memref<1x125x16xf32, #tpu.memory_space<vmem>>
    %dma_start3A_30 = tpu.memref_squeeze %dma_start3A_29 : memref<1x125x16xf32, #tpu.memory_space<vmem>> -> memref<125x16xf32, #tpu.memory_space<vmem>>
    %dma_start3A_31 = arith.constant 0 : i32
    %dma_start3A_32 = tpu.memref_slice %arg5[%dma_start3A_24, %dma_start3A_31] : memref<80x125xi32, #tpu.memory_space<vmem>> -> memref<1x125xi32, #tpu.memory_space<vmem>>
    %dma_start3A_33 = tpu.memref_squeeze %dma_start3A_32 : memref<1x125xi32, #tpu.memory_space<vmem>> -> memref<125xi32, #tpu.memory_space<vmem>>
    %dma_start3A_34 = arith.constant 0 : i32
    %dma_start3A_35 = arith.constant 0 : i32
    %dma_start3A_36 = tpu.memref_slice %arg2[%dma_start3A_34, %dma_start3A_35] : memref<10000x16xf32, #tpu.memory_space<hbm>> -> memref<10000x16xf32, #tpu.memory_space<hbm>>
    %dma_start3A_37 = tpu.memref_slice %arg10[%dma_start3A_26] : memref<8x!tpu.dma_semaphore, #tpu.memory_space<semaphore_mem>> -> memref<1x!tpu.dma_semaphore, #tpu.memory_space<semaphore_mem>>
    %dma_start3A_38 = tpu.memref_squeeze %dma_start3A_37 : memref<1x!tpu.dma_semaphore, #tpu.memory_space<semaphore_mem>> -> memref<!tpu.dma_semaphore, #tpu.memory_space<semaphore_mem>>
    tpu.enqueue_indirect_dma source(%dma_start3A_36 : memref<10000x16xf32, #tpu.memory_space<hbm>>) target(%dma_start3A_30 : memref<125x16xf32, #tpu.memory_space<vmem>>) offsets(%dma_start3A_33 : memref<125xi32, #tpu.memory_space<vmem>>) semaphore(%dma_start3A_38 : memref<!tpu.dma_semaphore, #tpu.memory_space<semaphore_mem>>)
    %dma_start3A_39 = arith.constant 2 : i32
    %dma_start3A_40 = arith.constant 2 : i32
    %dma_start3A_41 = arith.constant 2 : i32
    %dma_start3A_42 = arith.constant 0 : i32
    %dma_start3A_43 = arith.constant 0 : i32
    %dma_start3A_44 = tpu.memref_slice %arg7[%dma_start3A_40, %dma_start3A_42, %dma_start3A_43] : memref<8x125x16xf32, #tpu.memory_space<vmem>> -> memref<1x125x16xf32, #tpu.memory_space<vmem>>
    %dma_start3A_45 = tpu.memref_squeeze %dma_start3A_44 : memref<1x125x16xf32, #tpu.memory_space<vmem>> -> memref<125x16xf32, #tpu.memory_space<vmem>>
    %dma_start3A_46 = arith.constant 0 : i32
    %dma_start3A_47 = tpu.memref_slice %arg5[%dma_start3A_39, %dma_start3A_46] : memref<80x125xi32, #tpu.memory_space<vmem>> -> memref<1x125xi32, #tpu.memory_space<vmem>>
    %dma_start3A_48 = tpu.memref_squeeze %dma_start3A_47 : memref<1x125xi32, #tpu.memory_space<vmem>> -> memref<125xi32, #tpu.memory_space<vmem>>
    %dma_start3A_49 = arith.constant 0 : i32
    %dma_start3A_50 = arith.constant 0 : i32
    %dma_start3A_51 = tpu.memref_slice %arg2[%dma_start3A_49, %dma_start3A_50] : memref<10000x16xf32, #tpu.memory_space<hbm>> -> memref<10000x16xf32, #tpu.memory_space<hbm>>
    %dma_start3A_52 = tpu.memref_slice %arg10[%dma_start3A_41] : memref<8x!tpu.dma_semaphore, #tpu.memory_space<semaphore_mem>> -> memref<1x!tpu.dma_semaphore, #tpu.memory_space<semaphore_mem>>
    %dma_start3A_53 = tpu.memref_squeeze %dma_start3A_52 : memref<1x!tpu.dma_semaphore, #tpu.memory_space<semaphore_mem>> -> memref<!tpu.dma_semaphore, #tpu.memory_space<semaphore_mem>>
    tpu.enqueue_indirect_dma source(%dma_start3A_51 : memref<10000x16xf32, #tpu.memory_space<hbm>>) target(%dma_start3A_45 : memref<125x16xf32, #tpu.memory_space<vmem>>) offsets(%dma_start3A_48 : memref<125xi32, #tpu.memory_space<vmem>>) semaphore(%dma_start3A_53 : memref<!tpu.dma_semaphore, #tpu.memory_space<semaphore_mem>>)
    %dma_start3A_54 = arith.constant 3 : i32
    %dma_start3A_55 = arith.constant 3 : i32
    %dma_start3A_56 = arith.constant 3 : i32
    %dma_start3A_57 = arith.constant 0 : i32
    %dma_start3A_58 = arith.constant 0 : i32
    %dma_start3A_59 = tpu.memref_slice %arg7[%dma_start3A_55, %dma_start3A_57, %dma_start3A_58] : memref<8x125x16xf32, #tpu.memory_space<vmem>> -> memref<1x125x16xf32, #tpu.memory_space<vmem>>
    %dma_start3A_60 = tpu.memref_squeeze %dma_start3A_59 : memref<1x125x16xf32, #tpu.memory_space<vmem>> -> memref<125x16xf32, #tpu.memory_space<vmem>>
    %dma_start3A_61 = arith.constant 0 : i32
    %dma_start3A_62 = tpu.memref_slice %arg5[%dma_start3A_54, %dma_start3A_61] : memref<80x125xi32, #tpu.memory_space<vmem>> -> memref<1x125xi32, #tpu.memory_space<vmem>>
    %dma_start3A_63 = tpu.memref_squeeze %dma_start3A_62 : memref<1x125xi32, #tpu.memory_space<vmem>> -> memref<125xi32, #tpu.memory_space<vmem>>
    %dma_start3A_64 = arith.constant 0 : i32
    %dma_start3A_65 = arith.constant 0 : i32
    %dma_start3A_66 = tpu.memref_slice %arg2[%dma_start3A_64, %dma_start3A_65] : memref<10000x16xf32, #tpu.memory_space<hbm>> -> memref<10000x16xf32, #tpu.memory_space<hbm>>
    %dma_start3A_67 = tpu.memref_slice %arg10[%dma_start3A_56] : memref<8x!tpu.dma_semaphore, #tpu.memory_space<semaphore_mem>> -> memref<1x!tpu.dma_semaphore, #tpu.memory_space<semaphore_mem>>
    %dma_start3A_68 = tpu.memref_squeeze %dma_start3A_67 : memref<1x!tpu.dma_semaphore, #tpu.memory_space<semaphore_mem>> -> memref<!tpu.dma_semaphore, #tpu.memory_space<semaphore_mem>>
    tpu.enqueue_indirect_dma source(%dma_start3A_66 : memref<10000x16xf32, #tpu.memory_space<hbm>>) target(%dma_start3A_60 : memref<125x16xf32, #tpu.memory_space<vmem>>) offsets(%dma_start3A_63 : memref<125xi32, #tpu.memory_space<vmem>>) semaphore(%dma_start3A_68 : memref<!tpu.dma_semaphore, #tpu.memory_space<semaphore_mem>>)
    %dma_start3A_69 = arith.constant 4 : i32
    %dma_start3A_70 = arith.constant 4 : i32
    %dma_start3A_71 = arith.constant 4 : i32
    %dma_start3A_72 = arith.constant 0 : i32
    %dma_start3A_73 = arith.constant 0 : i32
    %dma_start3A_74 = tpu.memref_slice %arg7[%dma_start3A_70, %dma_start3A_72, %dma_start3A_73] : memref<8x125x16xf32, #tpu.memory_space<vmem>> -> memref<1x125x16xf32, #tpu.memory_space<vmem>>
    %dma_start3A_75 = tpu.memref_squeeze %dma_start3A_74 : memref<1x125x16xf32, #tpu.memory_space<vmem>> -> memref<125x16xf32, #tpu.memory_space<vmem>>
    %dma_start3A_76 = arith.constant 0 : i32
    %dma_start3A_77 = tpu.memref_slice %arg5[%dma_start3A_69, %dma_start3A_76] : memref<80x125xi32, #tpu.memory_space<vmem>> -> memref<1x125xi32, #tpu.memory_space<vmem>>
    %dma_start3A_78 = tpu.memref_squeeze %dma_start3A_77 : memref<1x125xi32, #tpu.memory_space<vmem>> -> memref<125xi32, #tpu.memory_space<vmem>>
    %dma_start3A_79 = arith.constant 0 : i32
    %dma_start3A_80 = arith.constant 0 : i32
    %dma_start3A_81 = tpu.memref_slice %arg2[%dma_start3A_79, %dma_start3A_80] : memref<10000x16xf32, #tpu.memory_space<hbm>> -> memref<10000x16xf32, #tpu.memory_space<hbm>>
    %dma_start3A_82 = tpu.memref_slice %arg10[%dma_start3A_71] : memref<8x!tpu.dma_semaphore, #tpu.memory_space<semaphore_mem>> -> memref<1x!tpu.dma_semaphore, #tpu.memory_space<semaphore_mem>>
    %dma_start3A_83 = tpu.memref_squeeze %dma_start3A_82 : memref<1x!tpu.dma_semaphore, #tpu.memory_space<semaphore_mem>> -> memref<!tpu.dma_semaphore, #tpu.memory_space<semaphore_mem>>
    tpu.enqueue_indirect_dma source(%dma_start3A_81 : memref<10000x16xf32, #tpu.memory_space<hbm>>) target(%dma_start3A_75 : memref<125x16xf32, #tpu.memory_space<vmem>>) offsets(%dma_start3A_78 : memref<125xi32, #tpu.memory_space<vmem>>) semaphore(%dma_start3A_83 : memref<!tpu.dma_semaphore, #tpu.memory_space<semaphore_mem>>)
    %dma_start3A_84 = arith.constant 5 : i32
    %dma_start3A_85 = arith.constant 5 : i32
    %dma_start3A_86 = arith.constant 5 : i32
    %dma_start3A_87 = arith.constant 0 : i32
    %dma_start3A_88 = arith.constant 0 : i32
    %dma_start3A_89 = tpu.memref_slice %arg7[%dma_start3A_85, %dma_start3A_87, %dma_start3A_88] : memref<8x125x16xf32, #tpu.memory_space<vmem>> -> memref<1x125x16xf32, #tpu.memory_space<vmem>>
    %dma_start3A_90 = tpu.memref_squeeze %dma_start3A_89 : memref<1x125x16xf32, #tpu.memory_space<vmem>> -> memref<125x16xf32, #tpu.memory_space<vmem>>
    %dma_start3A_91 = arith.constant 0 : i32
    %dma_start3A_92 = tpu.memref_slice %arg5[%dma_start3A_84, %dma_start3A_91] : memref<80x125xi32, #tpu.memory_space<vmem>> -> memref<1x125xi32, #tpu.memory_space<vmem>>
    %dma_start3A_93 = tpu.memref_squeeze %dma_start3A_92 : memref<1x125xi32, #tpu.memory_space<vmem>> -> memref<125xi32, #tpu.memory_space<vmem>>
    %dma_start3A_94 = arith.constant 0 : i32
    %dma_start3A_95 = arith.constant 0 : i32
    %dma_start3A_96 = tpu.memref_slice %arg2[%dma_start3A_94, %dma_start3A_95] : memref<10000x16xf32, #tpu.memory_space<hbm>> -> memref<10000x16xf32, #tpu.memory_space<hbm>>
    %dma_start3A_97 = tpu.memref_slice %arg10[%dma_start3A_86] : memref<8x!tpu.dma_semaphore, #tpu.memory_space<semaphore_mem>> -> memref<1x!tpu.dma_semaphore, #tpu.memory_space<semaphore_mem>>
    %dma_start3A_98 = tpu.memref_squeeze %dma_start3A_97 : memref<1x!tpu.dma_semaphore, #tpu.memory_space<semaphore_mem>> -> memref<!tpu.dma_semaphore, #tpu.memory_space<semaphore_mem>>
    tpu.enqueue_indirect_dma source(%dma_start3A_96 : memref<10000x16xf32, #tpu.memory_space<hbm>>) target(%dma_start3A_90 : memref<125x16xf32, #tpu.memory_space<vmem>>) offsets(%dma_start3A_93 : memref<125xi32, #tpu.memory_space<vmem>>) semaphore(%dma_start3A_98 : memref<!tpu.dma_semaphore, #tpu.memory_space<semaphore_mem>>)
    %dma_start3A_99 = arith.constant 6 : i32
    %dma_start3A_100 = arith.constant 6 : i32
    %dma_start3A_101 = arith.constant 6 : i32
    %dma_start3A_102 = arith.constant 0 : i32
    %dma_start3A_103 = arith.constant 0 : i32
    %dma_start3A_104 = tpu.memref_slice %arg7[%dma_start3A_100, %dma_start3A_102, %dma_start3A_103] : memref<8x125x16xf32, #tpu.memory_space<vmem>> -> memref<1x125x16xf32, #tpu.memory_space<vmem>>
    %dma_start3A_105 = tpu.memref_squeeze %dma_start3A_104 : memref<1x125x16xf32, #tpu.memory_space<vmem>> -> memref<125x16xf32, #tpu.memory_space<vmem>>
    %dma_start3A_106 = arith.constant 0 : i32
    %dma_start3A_107 = tpu.memref_slice %arg5[%dma_start3A_99, %dma_start3A_106] : memref<80x125xi32, #tpu.memory_space<vmem>> -> memref<1x125xi32, #tpu.memory_space<vmem>>
    %dma_start3A_108 = tpu.memref_squeeze %dma_start3A_107 : memref<1x125xi32, #tpu.memory_space<vmem>> -> memref<125xi32, #tpu.memory_space<vmem>>
    %dma_start3A_109 = arith.constant 0 : i32
    %dma_start3A_110 = arith.constant 0 : i32
    %dma_start3A_111 = tpu.memref_slice %arg2[%dma_start3A_109, %dma_start3A_110] : memref<10000x16xf32, #tpu.memory_space<hbm>> -> memref<10000x16xf32, #tpu.memory_space<hbm>>
    %dma_start3A_112 = tpu.memref_slice %arg10[%dma_start3A_101] : memref<8x!tpu.dma_semaphore, #tpu.memory_space<semaphore_mem>> -> memref<1x!tpu.dma_semaphore, #tpu.memory_space<semaphore_mem>>
    %dma_start3A_113 = tpu.memref_squeeze %dma_start3A_112 : memref<1x!tpu.dma_semaphore, #tpu.memory_space<semaphore_mem>> -> memref<!tpu.dma_semaphore, #tpu.memory_space<semaphore_mem>>
    tpu.enqueue_indirect_dma source(%dma_start3A_111 : memref<10000x16xf32, #tpu.memory_space<hbm>>) target(%dma_start3A_105 : memref<125x16xf32, #tpu.memory_space<vmem>>) offsets(%dma_start3A_108 : memref<125xi32, #tpu.memory_space<vmem>>) semaphore(%dma_start3A_113 : memref<!tpu.dma_semaphore, #tpu.memory_space<semaphore_mem>>)
    %scan3A_114 = arith.constant 0 : i32
    %scan3A_115 = arith.constant 0 : i32
    %scan3A_116 = arith.constant 80 : i32
    %scan3A_117 = arith.addi %scan3A_115, %scan3A_116 : i32
    %scan3A_118 = arith.constant 1 : i32
    scf.for %scan3A_131 = %scan3A_115 to %scan3A_117 step %scan3A_118  : i32 {
      %rem3A = arith.constant 8 : i32
      %rem3A_132 = arith.remsi %scan3A_131, %rem3A : i32
      %dma_wait3A = arith.constant 0 : i32
      %dma_wait3A_133 = arith.constant 0 : i32
      %dma_wait3A_134 = tpu.memref_slice %arg7[%rem3A_132, %dma_wait3A, %dma_wait3A_133] : memref<8x125x16xf32, #tpu.memory_space<vmem>> -> memref<1x125x16xf32, #tpu.memory_space<vmem>>
      %dma_wait3A_135 = tpu.memref_squeeze %dma_wait3A_134 : memref<1x125x16xf32, #tpu.memory_space<vmem>> -> memref<125x16xf32, #tpu.memory_space<vmem>>
      %dma_wait3A_136 = arith.constant 0 : i32
      %dma_wait3A_137 = tpu.memref_slice %arg5[%scan3A_131, %dma_wait3A_136] : memref<80x125xi32, #tpu.memory_space<vmem>> -> memref<1x125xi32, #tpu.memory_space<vmem>>
      %dma_wait3A_138 = tpu.memref_squeeze %dma_wait3A_137 : memref<1x125xi32, #tpu.memory_space<vmem>> -> memref<125xi32, #tpu.memory_space<vmem>>
      %dma_wait3A_139 = arith.constant 0 : i32
      %dma_wait3A_140 = arith.constant 0 : i32
      %dma_wait3A_141 = tpu.memref_slice %arg2[%dma_wait3A_139, %dma_wait3A_140] : memref<10000x16xf32, #tpu.memory_space<hbm>> -> memref<10000x16xf32, #tpu.memory_space<hbm>>
      %dma_wait3A_142 = tpu.memref_slice %arg10[%rem3A_132] : memref<8x!tpu.dma_semaphore, #tpu.memory_space<semaphore_mem>> -> memref<1x!tpu.dma_semaphore, #tpu.memory_space<semaphore_mem>>
      %dma_wait3A_143 = tpu.memref_squeeze %dma_wait3A_142 : memref<1x!tpu.dma_semaphore, #tpu.memory_space<semaphore_mem>> -> memref<!tpu.dma_semaphore, #tpu.memory_space<semaphore_mem>>
      tpu.wait_indirect_dma semaphore(%dma_wait3A_143 : memref<!tpu.dma_semaphore, #tpu.memory_space<semaphore_mem>>) src(%dma_wait3A_141 : memref<10000x16xf32, #tpu.memory_space<hbm>>) dst(%dma_wait3A_135 : memref<125x16xf32, #tpu.memory_space<vmem>>)
      %dma_start3A_144 = arith.constant 0 : i32
      %dma_start3A_145 = arith.constant 0 : i32
      %dma_start3A_146 = tpu.memref_slice %arg7[%rem3A_132, %dma_start3A_144, %dma_start3A_145] : memref<8x125x16xf32, #tpu.memory_space<vmem>> -> memref<1x125x16xf32, #tpu.memory_space<vmem>>
      %dma_start3A_147 = tpu.memref_squeeze %dma_start3A_146 : memref<1x125x16xf32, #tpu.memory_space<vmem>> -> memref<125x16xf32, #tpu.memory_space<vmem>>
      %dma_start3A_148 = arith.constant 0 : i32
      %dma_start3A_149 = tpu.memref_slice %arg6[%scan3A_131, %dma_start3A_148] : memref<80x125xi32, #tpu.memory_space<vmem>> -> memref<1x125xi32, #tpu.memory_space<vmem>>
      %dma_start3A_150 = tpu.memref_squeeze %dma_start3A_149 : memref<1x125xi32, #tpu.memory_space<vmem>> -> memref<125xi32, #tpu.memory_space<vmem>>
      %dma_start3A_151 = arith.constant 0 : i32
      %dma_start3A_152 = arith.constant 0 : i32
      %dma_start3A_153 = tpu.memref_slice %arg9[%dma_start3A_151, %dma_start3A_152] : memref<10000x16xf32, #tpu.memory_space<vmem_shared>> -> memref<10000x16xf32, #tpu.memory_space<vmem_shared>>
      %dma_start3A_154 = tpu.memref_slice %arg11[%rem3A_132] : memref<8x!tpu.dma_semaphore, #tpu.memory_space<semaphore_mem>> -> memref<1x!tpu.dma_semaphore, #tpu.memory_space<semaphore_mem>>
      %dma_start3A_155 = tpu.memref_squeeze %dma_start3A_154 : memref<1x!tpu.dma_semaphore, #tpu.memory_space<semaphore_mem>> -> memref<!tpu.dma_semaphore, #tpu.memory_space<semaphore_mem>>
      tpu.enqueue_indirect_dma source(%dma_start3A_147 : memref<125x16xf32, #tpu.memory_space<vmem>>) target(%dma_start3A_153 : memref<10000x16xf32, #tpu.memory_space<vmem_shared>>) offsets(%dma_start3A_150 : memref<125xi32, #tpu.memory_space<vmem>>) semaphore(%dma_start3A_155 : memref<!tpu.dma_semaphore, #tpu.memory_space<semaphore_mem>>) {add = true}
      %add3A_156 = arith.constant 8 : i32
      %add3A_157 = arith.addi %scan3A_131, %add3A_156 : i32
      %sub3A = arith.constant 1 : i32
      %sub3A_158 = arith.subi %add3A_157, %sub3A : i32
      %lt3A = arith.constant 80 : i32
      %lt3A_159 = arith.cmpi slt, %sub3A_158, %lt3A : i32
      %convert_element_type3A = arith.extui %lt3A_159 : i1 to i32
      %cond3A = arith.constant 0 : i32
      %cond3A_160 = arith.cmpi ne, %convert_element_type3A, %cond3A : i32
      scf.if %cond3A_160 {
        %rem3A_161 = arith.constant 8 : i32
        %rem3A_162 = arith.remsi %sub3A_158, %rem3A_161 : i32
        %ge3A = arith.constant 1 : i32
        %ge3A_163 = arith.cmpi sge, %scan3A_131, %ge3A : i32
        %convert_element_type3A_164 = arith.extui %ge3A_163 : i1 to i32
        %cond3A_165 = arith.constant 0 : i32
        %cond3A_166 = arith.cmpi ne, %convert_element_type3A_164, %cond3A_165 : i32
        scf.if %cond3A_166 {
          %sub3A_179 = arith.constant 1 : i32
          %sub3A_180 = arith.subi %scan3A_131, %sub3A_179 : i32
          %dma_wait3A_181 = arith.constant 0 : i32
          %dma_wait3A_182 = arith.constant 0 : i32
          %dma_wait3A_183 = tpu.memref_slice %arg7[%rem3A_162, %dma_wait3A_181, %dma_wait3A_182] : memref<8x125x16xf32, #tpu.memory_space<vmem>> -> memref<1x125x16xf32, #tpu.memory_space<vmem>>
          %dma_wait3A_184 = tpu.memref_squeeze %dma_wait3A_183 : memref<1x125x16xf32, #tpu.memory_space<vmem>> -> memref<125x16xf32, #tpu.memory_space<vmem>>
          %dma_wait3A_185 = arith.constant 0 : i32
          %dma_wait3A_186 = tpu.memref_slice %arg6[%sub3A_180, %dma_wait3A_185] : memref<80x125xi32, #tpu.memory_space<vmem>> -> memref<1x125xi32, #tpu.memory_space<vmem>>
          %dma_wait3A_187 = tpu.memref_squeeze %dma_wait3A_186 : memref<1x125xi32, #tpu.memory_space<vmem>> -> memref<125xi32, #tpu.memory_space<vmem>>
          %dma_wait3A_188 = arith.constant 0 : i32
          %dma_wait3A_189 = arith.constant 0 : i32
          %dma_wait3A_190 = tpu.memref_slice %arg9[%dma_wait3A_188, %dma_wait3A_189] : memref<10000x16xf32, #tpu.memory_space<vmem_shared>> -> memref<10000x16xf32, #tpu.memory_space<vmem_shared>>
          %dma_wait3A_191 = tpu.memref_slice %arg11[%rem3A_162] : memref<8x!tpu.dma_semaphore, #tpu.memory_space<semaphore_mem>> -> memref<1x!tpu.dma_semaphore, #tpu.memory_space<semaphore_mem>>
          %dma_wait3A_192 = tpu.memref_squeeze %dma_wait3A_191 : memref<1x!tpu.dma_semaphore, #tpu.memory_space<semaphore_mem>> -> memref<!tpu.dma_semaphore, #tpu.memory_space<semaphore_mem>>
          tpu.wait_indirect_dma semaphore(%dma_wait3A_192 : memref<!tpu.dma_semaphore, #tpu.memory_space<semaphore_mem>>) src(%dma_wait3A_184 : memref<125x16xf32, #tpu.memory_space<vmem>>) dst(%dma_wait3A_190 : memref<10000x16xf32, #tpu.memory_space<vmem_shared>>)
        } else {
        }
        %dma_start3A_167 = arith.constant 0 : i32
        %dma_start3A_168 = arith.constant 0 : i32
        %dma_start3A_169 = tpu.memref_slice %arg7[%rem3A_162, %dma_start3A_167, %dma_start3A_168] : memref<8x125x16xf32, #tpu.memory_space<vmem>> -> memref<1x125x16xf32, #tpu.memory_space<vmem>>
        %dma_start3A_170 = tpu.memref_squeeze %dma_start3A_169 : memref<1x125x16xf32, #tpu.memory_space<vmem>> -> memref<125x16xf32, #tpu.memory_space<vmem>>
        %dma_start3A_171 = arith.constant 0 : i32
        %dma_start3A_172 = tpu.memref_slice %arg5[%sub3A_158, %dma_start3A_171] : memref<80x125xi32, #tpu.memory_space<vmem>> -> memref<1x125xi32, #tpu.memory_space<vmem>>
        %dma_start3A_173 = tpu.memref_squeeze %dma_start3A_172 : memref<1x125xi32, #tpu.memory_space<vmem>> -> memref<125xi32, #tpu.memory_space<vmem>>
        %dma_start3A_174 = arith.constant 0 : i32
        %dma_start3A_175 = arith.constant 0 : i32
        %dma_start3A_176 = tpu.memref_slice %arg2[%dma_start3A_174, %dma_start3A_175] : memref<10000x16xf32, #tpu.memory_space<hbm>> -> memref<10000x16xf32, #tpu.memory_space<hbm>>
        %dma_start3A_177 = tpu.memref_slice %arg10[%rem3A_162] : memref<8x!tpu.dma_semaphore, #tpu.memory_space<semaphore_mem>> -> memref<1x!tpu.dma_semaphore, #tpu.memory_space<semaphore_mem>>
        %dma_start3A_178 = tpu.memref_squeeze %dma_start3A_177 : memref<1x!tpu.dma_semaphore, #tpu.memory_space<semaphore_mem>> -> memref<!tpu.dma_semaphore, #tpu.memory_space<semaphore_mem>>
        tpu.enqueue_indirect_dma source(%dma_start3A_176 : memref<10000x16xf32, #tpu.memory_space<hbm>>) target(%dma_start3A_170 : memref<125x16xf32, #tpu.memory_space<vmem>>) offsets(%dma_start3A_173 : memref<125xi32, #tpu.memory_space<vmem>>) semaphore(%dma_start3A_178 : memref<!tpu.dma_semaphore, #tpu.memory_space<semaphore_mem>>)
      } else {
      }
    }
    %scan3A_119 = arith.constant 80 : i32
    %scan3A_120 = arith.constant 0 : i32
    %scan3A_121 = arith.constant 0 : i32
    %scan3A_122 = arith.constant 8 : i32
    %scan3A_123 = arith.addi %scan3A_121, %scan3A_122 : i32
    %scan3A_124 = arith.constant 1 : i32
    scf.for %scan3A_131 = %scan3A_121 to %scan3A_123 step %scan3A_124  : i32 {
      %add3A_132 = arith.constant 72 : i32
      %add3A_133 = arith.addi %add3A_132, %scan3A_131 : i32
      %rem3A = arith.constant 8 : i32
      %rem3A_134 = arith.remsi %add3A_133, %rem3A : i32
      %dma_wait3A = arith.constant 0 : i32
      %dma_wait3A_135 = arith.constant 0 : i32
      %dma_wait3A_136 = tpu.memref_slice %arg7[%rem3A_134, %dma_wait3A, %dma_wait3A_135] : memref<8x125x16xf32, #tpu.memory_space<vmem>> -> memref<1x125x16xf32, #tpu.memory_space<vmem>>
      %dma_wait3A_137 = tpu.memref_squeeze %dma_wait3A_136 : memref<1x125x16xf32, #tpu.memory_space<vmem>> -> memref<125x16xf32, #tpu.memory_space<vmem>>
      %dma_wait3A_138 = arith.constant 0 : i32
      %dma_wait3A_139 = tpu.memref_slice %arg6[%add3A_133, %dma_wait3A_138] : memref<80x125xi32, #tpu.memory_space<vmem>> -> memref<1x125xi32, #tpu.memory_space<vmem>>
      %dma_wait3A_140 = tpu.memref_squeeze %dma_wait3A_139 : memref<1x125xi32, #tpu.memory_space<vmem>> -> memref<125xi32, #tpu.memory_space<vmem>>
      %dma_wait3A_141 = arith.constant 0 : i32
      %dma_wait3A_142 = arith.constant 0 : i32
      %dma_wait3A_143 = tpu.memref_slice %arg9[%dma_wait3A_141, %dma_wait3A_142] : memref<10000x16xf32, #tpu.memory_space<vmem_shared>> -> memref<10000x16xf32, #tpu.memory_space<vmem_shared>>
      %dma_wait3A_144 = tpu.memref_slice %arg11[%rem3A_134] : memref<8x!tpu.dma_semaphore, #tpu.memory_space<semaphore_mem>> -> memref<1x!tpu.dma_semaphore, #tpu.memory_space<semaphore_mem>>
      %dma_wait3A_145 = tpu.memref_squeeze %dma_wait3A_144 : memref<1x!tpu.dma_semaphore, #tpu.memory_space<semaphore_mem>> -> memref<!tpu.dma_semaphore, #tpu.memory_space<semaphore_mem>>
      tpu.wait_indirect_dma semaphore(%dma_wait3A_145 : memref<!tpu.dma_semaphore, #tpu.memory_space<semaphore_mem>>) src(%dma_wait3A_137 : memref<125x16xf32, #tpu.memory_space<vmem>>) dst(%dma_wait3A_143 : memref<10000x16xf32, #tpu.memory_space<vmem_shared>>)
    }
    %scan3A_125 = arith.constant 8 : i32
    %barrier3A_126 = arith.constant 0 : index
    tpu.barrier barrier_id(%barrier3A_126)
    %mul3A_127 = arith.constant 625 : i32
    %mul3A_128 = arith.muli %arg1, %mul3A_127 : i32
    %mul3A_129 = arith.constant 625 : i32
    %mul3A_130 = arith.muli %arg1, %mul3A_129 : i32
    "tpu.region"() ({
      %run_scoped3A_131 = tpu.sem_alloc : memref<!tpu.dma_semaphore, #tpu.memory_space<semaphore_mem>>
      %dma_start3A_132 = arith.constant 0 : i32
      %dma_start3A_133 = tpu.memref_slice %arg4[%arg0, %mul3A_130, %dma_start3A_132] : memref<2x10000x16xf32, #tpu.memory_space<hbm>> -> memref<1x625x16xf32, #tpu.memory_space<hbm>>
      %dma_start3A_134 = tpu.memref_squeeze %dma_start3A_133 : memref<1x625x16xf32, #tpu.memory_space<hbm>> -> memref<625x16xf32, #tpu.memory_space<hbm>>
      %dma_start3A_135 = arith.constant 0 : i32
      %dma_start3A_136 = tpu.memref_slice %arg9[%mul3A_128, %dma_start3A_135] : memref<10000x16xf32, #tpu.memory_space<vmem_shared>> -> memref<625x16xf32, #tpu.memory_space<vmem_shared>>
      tpu.enqueue_dma source(%dma_start3A_136 : memref<625x16xf32, #tpu.memory_space<vmem_shared>>) target(%dma_start3A_134 : memref<625x16xf32, #tpu.memory_space<hbm>>) target_semaphore(%run_scoped3A_131 : memref<!tpu.dma_semaphore, #tpu.memory_space<semaphore_mem>>)
      %dma_wait3A = arith.constant 0 : i32
      %dma_wait3A_137 = tpu.memref_slice %arg4[%arg0, %mul3A_130, %dma_wait3A] : memref<2x10000x16xf32, #tpu.memory_space<hbm>> -> memref<1x625x16xf32, #tpu.memory_space<hbm>>
      %dma_wait3A_138 = tpu.memref_squeeze %dma_wait3A_137 : memref<1x625x16xf32, #tpu.memory_space<hbm>> -> memref<625x16xf32, #tpu.memory_space<hbm>>
      %dma_wait3A_139 = arith.constant 0 : i32
      %dma_wait3A_140 = tpu.memref_slice %arg9[%mul3A_128, %dma_wait3A_139] : memref<10000x16xf32, #tpu.memory_space<vmem_shared>> -> memref<625x16xf32, #tpu.memory_space<vmem_shared>>
      tpu.wait_dma2 semaphore(%run_scoped3A_131 : memref<!tpu.dma_semaphore, #tpu.memory_space<semaphore_mem>>) src(%dma_wait3A_140 : memref<625x16xf32, #tpu.memory_space<vmem_shared>>) dst(%dma_wait3A_138 : memref<625x16xf32, #tpu.memory_space<hbm>>)
      tpu.yield
    }) : () -> ()
    return
  }
}

#map = affine_map<(d0, d1) -> (0, 0, 0, 0)>
#map1 = affine_map<(d0, d1) -> (0, 0)>
module attributes {stable_mosaic.version = 14 : i64} {
  func.func @_deg_body(%arg0: i32, %arg1: i32, %arg2: memref<2x32x80x125xi32, #tpu.memory_space<hbm>>, %arg3: memref<32x10000xf32, #tpu.memory_space<hbm>>, %arg4: memref<80x125xi32, #tpu.memory_space<vmem>>, %arg5: memref<10000xf32, #tpu.memory_space<vmem>>, %arg6: memref<!tpu.dma_semaphore, #tpu.memory_space<semaphore_mem>>) attributes {dimension_semantics = [#tpu.dimension_semantics<core_parallel>, #tpu.dimension_semantics<subcore_parallel>], iteration_bounds = array<i64: 2, 16>, scalar_prefetch = 0 : i64, scratch_operands = 3 : i64, tpu.core_type = #tpu.core_type<sc_vector_subcore>, window_params = [{transform_indices = #map}, {transform_indices = #map1}]} {
    %mul3A = arith.constant 2 : i32
    %mul3A_0 = arith.muli %arg1, %mul3A : i32
    %add3A = arith.addi %mul3A_0, %arg0 : i32
    %broadcast_in_dim3A = arith.constant 0.000000e+00 : f32
    %broadcast_in_dim3A_1 = vector.broadcast %broadcast_in_dim3A : f32 to vector<16xf32>
    %scan3A = arith.constant 0 : i32
    %scan3A_2 = arith.constant 0 : i32
    %scan3A_3 = arith.constant 625 : i32
    %scan3A_4 = arith.addi %scan3A_2, %scan3A_3 : i32
    %scan3A_5 = arith.constant 1 : i32
    scf.for %scan3A_17 = %scan3A_2 to %scan3A_4 step %scan3A_5  : i32 {
      %mul3A_18 = arith.constant 16 : i32
      %mul3A_19 = arith.muli %scan3A_17, %mul3A_18 : i32
      %swap3A = arith.index_cast %mul3A_19 : i32 to index
      %swap3A_20 = tpu.vector_load %arg5[%swap3A] {strides = array<i32>} : memref<10000xf32, #tpu.memory_space<vmem>>, vector<16xf32>,
      tpu.vector_store %arg5[%swap3A], %broadcast_in_dim3A_1 {strides = array<i32>} : memref<10000xf32, #tpu.memory_space<vmem>>, vector<16xf32>,
    }
    %scan3A_6 = arith.constant 625 : i32
    %run_scoped3A = arith.constant 1 : i32
    "tpu.region"() ({
      %run_scoped3A_17 = tpu.sem_alloc : memref<!tpu.dma_semaphore, #tpu.memory_space<semaphore_mem>>
      %dma_start3A = arith.constant 0 : i32
      %dma_start3A_18 = arith.constant 0 : i32
      %dma_start3A_19 = tpu.memref_slice %arg2[%run_scoped3A, %add3A, %dma_start3A, %dma_start3A_18] : memref<2x32x80x125xi32, #tpu.memory_space<hbm>> -> memref<1x1x80x125xi32, #tpu.memory_space<hbm>>
      %dma_start3A_20 = tpu.memref_squeeze %dma_start3A_19 : memref<1x1x80x125xi32, #tpu.memory_space<hbm>> -> memref<80x125xi32, #tpu.memory_space<hbm>>
      %dma_start3A_21 = arith.constant 0 : i32
      %dma_start3A_22 = arith.constant 0 : i32
      %dma_start3A_23 = tpu.memref_slice %arg2[%run_scoped3A, %add3A, %dma_start3A_21, %dma_start3A_22] : memref<2x32x80x125xi32, #tpu.memory_space<hbm>> -> memref<1x1x80x125xi32, #tpu.memory_space<hbm>>
      %dma_start3A_24 = tpu.memref_squeeze %dma_start3A_23 : memref<1x1x80x125xi32, #tpu.memory_space<hbm>> -> memref<80x125xi32, #tpu.memory_space<hbm>>
      tpu.enqueue_dma source(%dma_start3A_24 : memref<80x125xi32, #tpu.memory_space<hbm>>) target(%arg4 : memref<80x125xi32, #tpu.memory_space<vmem>>) target_semaphore(%run_scoped3A_17 : memref<!tpu.dma_semaphore, #tpu.memory_space<semaphore_mem>>)
      %dma_wait3A = arith.constant 0 : i32
      %dma_wait3A_25 = arith.constant 0 : i32
      %dma_wait3A_26 = tpu.memref_slice %arg2[%run_scoped3A, %add3A, %dma_wait3A, %dma_wait3A_25] : memref<2x32x80x125xi32, #tpu.memory_space<hbm>> -> memref<1x1x80x125xi32, #tpu.memory_space<hbm>>
      %dma_wait3A_27 = tpu.memref_squeeze %dma_wait3A_26 : memref<1x1x80x125xi32, #tpu.memory_space<hbm>> -> memref<80x125xi32, #tpu.memory_space<hbm>>
      %dma_wait3A_28 = arith.constant 0 : i32
      %dma_wait3A_29 = arith.constant 0 : i32
      %dma_wait3A_30 = tpu.memref_slice %arg2[%run_scoped3A, %add3A, %dma_wait3A_28, %dma_wait3A_29] : memref<2x32x80x125xi32, #tpu.memory_space<hbm>> -> memref<1x1x80x125xi32, #tpu.memory_space<hbm>>
      %dma_wait3A_31 = tpu.memref_squeeze %dma_wait3A_30 : memref<1x1x80x125xi32, #tpu.memory_space<hbm>> -> memref<80x125xi32, #tpu.memory_space<hbm>>
      tpu.wait_dma2 semaphore(%run_scoped3A_17 : memref<!tpu.dma_semaphore, #tpu.memory_space<semaphore_mem>>) src(%dma_wait3A_31 : memref<80x125xi32, #tpu.memory_space<hbm>>) dst(%arg4 : memref<80x125xi32, #tpu.memory_space<vmem>>)
      tpu.yield
    }) : () -> ()
    %broadcast_in_dim3A_7 = arith.constant 1.000000e+00 : f32
    %broadcast_in_dim3A_8 = vector.broadcast %broadcast_in_dim3A_7 : f32 to vector<16xf32>
    %iota3A = tpu.iota {dimensions = array<i32: 0>} : vector<16xi32>
    %ge3A = arith.constant 3 : i32
    %ge3A_9 = vector.broadcast %ge3A : i32 to vector<16xi32>
    %ge3A_10 = arith.cmpi sge, %iota3A, %ge3A_9 : vector<16xi32>
    %scan3A_11 = arith.constant 0 : i32
    %scan3A_12 = arith.constant 0 : i32
    %scan3A_13 = arith.constant 80 : i32
    %scan3A_14 = arith.addi %scan3A_12, %scan3A_13 : i32
    %scan3A_15 = arith.constant 1 : i32
    scf.for %scan3A_17 = %scan3A_12 to %scan3A_14 step %scan3A_15  : i32 {
      %get3A = arith.index_cast %scan3A_17 : i32 to index
      %get3A_18 = arith.constant 0 : index
      %get3A_19 = tpu.vector_load %arg4[%get3A, %get3A_18] {strides = array<i32>} : memref<80x125xi32, #tpu.memory_space<vmem>>, vector<16xi32>,
      tpu.vector_store_idx %arg5[%get3A_19], %broadcast_in_dim3A_8 {add = true} : memref<10000xf32, #tpu.memory_space<vmem>>[vector<16xi32>], vector<16xf32>,
      %get3A_20 = arith.index_cast %scan3A_17 : i32 to index
      %get3A_21 = arith.constant 16 : index
      %get3A_22 = tpu.vector_load %arg4[%get3A_20, %get3A_21] {strides = array<i32>} : memref<80x125xi32, #tpu.memory_space<vmem>>, vector<16xi32>,
      tpu.vector_store_idx %arg5[%get3A_22], %broadcast_in_dim3A_8 {add = true} : memref<10000xf32, #tpu.memory_space<vmem>>[vector<16xi32>], vector<16xf32>,
      %get3A_23 = arith.index_cast %scan3A_17 : i32 to index
      %get3A_24 = arith.constant 32 : index
      %get3A_25 = tpu.vector_load %arg4[%get3A_23, %get3A_24] {strides = array<i32>} : memref<80x125xi32, #tpu.memory_space<vmem>>, vector<16xi32>,
      tpu.vector_store_idx %arg5[%get3A_25], %broadcast_in_dim3A_8 {add = true} : memref<10000xf32, #tpu.memory_space<vmem>>[vector<16xi32>], vector<16xf32>,
      %get3A_26 = arith.index_cast %scan3A_17 : i32 to index
      %get3A_27 = arith.constant 48 : index
      %get3A_28 = tpu.vector_load %arg4[%get3A_26, %get3A_27] {strides = array<i32>} : memref<80x125xi32, #tpu.memory_space<vmem>>, vector<16xi32>,
      tpu.vector_store_idx %arg5[%get3A_28], %broadcast_in_dim3A_8 {add = true} : memref<10000xf32, #tpu.memory_space<vmem>>[vector<16xi32>], vector<16xf32>,
      %get3A_29 = arith.index_cast %scan3A_17 : i32 to index
      %get3A_30 = arith.constant 64 : index
      %get3A_31 = tpu.vector_load %arg4[%get3A_29, %get3A_30] {strides = array<i32>} : memref<80x125xi32, #tpu.memory_space<vmem>>, vector<16xi32>,
      tpu.vector_store_idx %arg5[%get3A_31], %broadcast_in_dim3A_8 {add = true} : memref<10000xf32, #tpu.memory_space<vmem>>[vector<16xi32>], vector<16xf32>,
      %get3A_32 = arith.index_cast %scan3A_17 : i32 to index
      %get3A_33 = arith.constant 80 : index
      %get3A_34 = tpu.vector_load %arg4[%get3A_32, %get3A_33] {strides = array<i32>} : memref<80x125xi32, #tpu.memory_space<vmem>>, vector<16xi32>,
      tpu.vector_store_idx %arg5[%get3A_34], %broadcast_in_dim3A_8 {add = true} : memref<10000xf32, #tpu.memory_space<vmem>>[vector<16xi32>], vector<16xf32>,
      %get3A_35 = arith.index_cast %scan3A_17 : i32 to index
      %get3A_36 = arith.constant 96 : index
      %get3A_37 = tpu.vector_load %arg4[%get3A_35, %get3A_36] {strides = array<i32>} : memref<80x125xi32, #tpu.memory_space<vmem>>, vector<16xi32>,
      tpu.vector_store_idx %arg5[%get3A_37], %broadcast_in_dim3A_8 {add = true} : memref<10000xf32, #tpu.memory_space<vmem>>[vector<16xi32>], vector<16xf32>,
      %get3A_38 = arith.index_cast %scan3A_17 : i32 to index
      %get3A_39 = arith.constant 109 : index
      %get3A_40 = tpu.vector_load %arg4[%get3A_38, %get3A_39] {strides = array<i32>} : memref<80x125xi32, #tpu.memory_space<vmem>>, vector<16xi32>,
      tpu.vector_store_idx %arg5[%get3A_40], %broadcast_in_dim3A_8 masked %ge3A_10 {add = true} : memref<10000xf32, #tpu.memory_space<vmem>>[vector<16xi32>], vector<16xf32>, vector<16xi1>
    }
    %scan3A_16 = arith.constant 80 : i32
    "tpu.region"() ({
      %run_scoped3A_17 = tpu.sem_alloc : memref<!tpu.dma_semaphore, #tpu.memory_space<semaphore_mem>>
      %dma_start3A = arith.constant 0 : i32
      %dma_start3A_18 = tpu.memref_slice %arg3[%add3A, %dma_start3A] : memref<32x10000xf32, #tpu.memory_space<hbm>> -> memref<1x10000xf32, #tpu.memory_space<hbm>>
      %dma_start3A_19 = tpu.memref_squeeze %dma_start3A_18 : memref<1x10000xf32, #tpu.memory_space<hbm>> -> memref<10000xf32, #tpu.memory_space<hbm>>
      %dma_start3A_20 = arith.constant 0 : i32
      %dma_start3A_21 = tpu.memref_slice %arg3[%add3A, %dma_start3A_20] : memref<32x10000xf32, #tpu.memory_space<hbm>> -> memref<1x10000xf32, #tpu.memory_space<hbm>>
      %dma_start3A_22 = tpu.memref_squeeze %dma_start3A_21 : memref<1x10000xf32, #tpu.memory_space<hbm>> -> memref<10000xf32, #tpu.memory_space<hbm>>
      tpu.enqueue_dma source(%arg5 : memref<10000xf32, #tpu.memory_space<vmem>>) target(%dma_start3A_22 : memref<10000xf32, #tpu.memory_space<hbm>>) target_semaphore(%run_scoped3A_17 : memref<!tpu.dma_semaphore, #tpu.memory_space<semaphore_mem>>)
      %dma_wait3A = arith.constant 0 : i32
      %dma_wait3A_23 = tpu.memref_slice %arg3[%add3A, %dma_wait3A] : memref<32x10000xf32, #tpu.memory_space<hbm>> -> memref<1x10000xf32, #tpu.memory_space<hbm>>
      %dma_wait3A_24 = tpu.memref_squeeze %dma_wait3A_23 : memref<1x10000xf32, #tpu.memory_space<hbm>> -> memref<10000xf32, #tpu.memory_space<hbm>>
      %dma_wait3A_25 = arith.constant 0 : i32
      %dma_wait3A_26 = tpu.memref_slice %arg3[%add3A, %dma_wait3A_25] : memref<32x10000xf32, #tpu.memory_space<hbm>> -> memref<1x10000xf32, #tpu.memory_space<hbm>>
      %dma_wait3A_27 = tpu.memref_squeeze %dma_wait3A_26 : memref<1x10000xf32, #tpu.memory_space<hbm>> -> memref<10000xf32, #tpu.memory_space<hbm>>
      tpu.wait_dma2 semaphore(%run_scoped3A_17 : memref<!tpu.dma_semaphore, #tpu.memory_space<semaphore_mem>>) src(%arg5 : memref<10000xf32, #tpu.memory_space<vmem>>) dst(%dma_wait3A_27 : memref<10000xf32, #tpu.memory_space<hbm>>)
      tpu.yield
    }) : () -> ()
    return
  }
}

module attributes {stable_mosaic.version = 14 : i64} {
  func.func @_mm1_body(%arg0: i32, %arg1: memref<2000x128xf32, #tpu.memory_space<vmem>>, %arg2: memref<128x32xf32, #tpu.memory_space<vmem>>, %arg3: memref<2000x32xf32, #tpu.memory_space<vmem>>) attributes {dimension_semantics = [#tpu.dimension_semantics<arbitrary>], iteration_bounds = array<i64: 5>, scalar_prefetch = 0 : i64, scratch_operands = 0 : i64, tpu.core_type = #tpu.core_type<tc>, window_params = [{transform_indices = @transform_0, window_bounds = array<i64: 2000, 128>}, {pipeline_mode = #tpu.pipeline_mode<synchronous>, transform_indices = @transform_1, window_bounds = array<i64: 128, 32>}, {transform_indices = @transform_2, window_bounds = array<i64: 2000, 32>}]} {
    %get3A = arith.constant 0 : index
    %get3A_0 = arith.constant 0 : index
    %get3A_1 = vector.load %arg1[%get3A, %get3A_0] : memref<2000x128xf32, #tpu.memory_space<vmem>>, vector<2000x128xf32>
    %get3A_2 = arith.constant 0 : index
    %get3A_3 = arith.constant 0 : index
    %get3A_4 = vector.load %arg2[%get3A_2, %get3A_3] : memref<128x32xf32, #tpu.memory_space<vmem>>, vector<128x32xf32>
    %dot_general3A = arith.constant dense<0.000000e+00> : vector<2000x32xf32>
    %dot_general3A_5 = tpu.matmul %get3A_1, %get3A_4, %dot_general3A {dimension_numbers = #tpu.dot_dimension_numbers<[1], [0], [0], [1], [0, 0, 1, 1], [], []>, transpose_lhs_hint = false} : vector<2000x128xf32>, vector<128x32xf32>, vector<2000x32xf32> -> vector<2000x32xf32>
    %swap3A = arith.constant 0 : index
    %swap3A_6 = arith.constant 0 : index
    %swap3A_7 = vector.load %arg3[%swap3A, %swap3A_6] : memref<2000x32xf32, #tpu.memory_space<vmem>>, vector<2000x32xf32>
    tpu.vector_store %arg3[%swap3A, %swap3A_6], %dot_general3A_5 {strides = array<i32>} : memref<2000x32xf32, #tpu.memory_space<vmem>>, vector<2000x32xf32>,
    return
  }
  func.func @transform_0(%arg0: i32) -> (i32, i32) {
    %c0_i32 = arith.constant 0 : i32
    %c0_i32_0 = arith.constant 0 : i32
    return %arg0, %c0_i32 : i32, i32
  }
  func.func @transform_1(%arg0: i32) -> (i32, i32) {
    %c0_i32 = arith.constant 0 : i32
    %c0_i32_0 = arith.constant 0 : i32
    %c0_i32_1 = arith.constant 0 : i32
    return %c0_i32, %c0_i32_0 : i32, i32
  }
  func.func @transform_2(%arg0: i32) -> (i32, i32) {
    %c0_i32 = arith.constant 0 : i32
    %c0_i32_0 = arith.constant 0 : i32
    return %arg0, %c0_i32 : i32, i32
  }
}

module attributes {stable_mosaic.version = 14 : i64} {
  func.func @_dinv_body(%arg0: i32, %arg1: memref<32x10000xf32, #tpu.memory_space<vmem>>, %arg2: memref<10000x32xf32, #tpu.memory_space<vmem>>) attributes {dimension_semantics = [#tpu.dimension_semantics<arbitrary>], iteration_bounds = array<i64: 1>, scalar_prefetch = 0 : i64, scratch_operands = 0 : i64, tpu.core_type = #tpu.core_type<tc>, window_params = [{pipeline_mode = #tpu.pipeline_mode<synchronous>, transform_indices = @transform_0, window_bounds = array<i64: 32, 10000>}, {pipeline_mode = #tpu.pipeline_mode<synchronous>, transform_indices = @transform_1, window_bounds = array<i64: 10000, 32>}]} {
    %get3A = arith.constant 0 : index
    %get3A_0 = arith.constant 0 : index
    %get3A_1 = vector.load %arg1[%get3A, %get3A_0] : memref<32x10000xf32, #tpu.memory_space<vmem>>, vector<32x10000xf32>
    %reduce_sum3A = arith.constant dense<0.000000e+00> : vector<10000xf32>
    %reduce_sum3A_2 = vector.multi_reduction <add>, %get3A_1, %reduce_sum3A [0] : vector<32x10000xf32> to vector<10000xf32>
    %add3A = arith.constant 1.000000e+00 : f32
    %add3A_3 = vector.broadcast %add3A : f32 to vector<10000xf32>
    %add3A_4 = arith.addf %reduce_sum3A_2, %add3A_3 : vector<10000xf32>
    %rsqrt3A = math.rsqrt %add3A_4 : vector<10000xf32>
    %broadcast_in_dim3A = vector.shape_cast %rsqrt3A : vector<10000xf32> to vector<10000x1xf32>
    %broadcast_in_dim3A_5 = vector.shape_cast %broadcast_in_dim3A : vector<10000x1xf32> to vector<10000x1xf32>
    %broadcast_in_dim3A_6 = vector.broadcast %broadcast_in_dim3A_5 : vector<10000x1xf32> to vector<10000x32xf32>
    %swap3A = arith.constant 0 : index
    %swap3A_7 = arith.constant 0 : index
    %swap3A_8 = vector.load %arg2[%swap3A, %swap3A_7] : memref<10000x32xf32, #tpu.memory_space<vmem>>, vector<10000x32xf32>
    tpu.vector_store %arg2[%swap3A, %swap3A_7], %broadcast_in_dim3A_6 {strides = array<i32>} : memref<10000x32xf32, #tpu.memory_space<vmem>>, vector<10000x32xf32>,
    return
  }
  func.func @transform_0(%arg0: i32) -> (i32, i32) {
    %c0_i32 = arith.constant 0 : i32
    %c0_i32_0 = arith.constant 0 : i32
    %c0_i32_1 = arith.constant 0 : i32
    return %c0_i32, %c0_i32_0 : i32, i32
  }
  func.func @transform_1(%arg0: i32) -> (i32, i32) {
    %c0_i32 = arith.constant 0 : i32
    %c0_i32_0 = arith.constant 0 : i32
    %c0_i32_1 = arith.constant 0 : i32
    return %c0_i32, %c0_i32_0 : i32, i32
  }
}

module attributes {stable_mosaic.version = 14 : i64} {
  func.func @_scale_body(%arg0: i32, %arg1: memref<2000x32xf32, #tpu.memory_space<vmem>>, %arg2: memref<2000x32xf32, #tpu.memory_space<vmem>>, %arg3: memref<2000x32xf32, #tpu.memory_space<vmem>>) attributes {dimension_semantics = [#tpu.dimension_semantics<arbitrary>], iteration_bounds = array<i64: 5>, scalar_prefetch = 0 : i64, scratch_operands = 0 : i64, tpu.core_type = #tpu.core_type<tc>, window_params = [{transform_indices = @transform_0, window_bounds = array<i64: 2000, 32>}, {transform_indices = @transform_1, window_bounds = array<i64: 2000, 32>}, {transform_indices = @transform_2, window_bounds = array<i64: 2000, 32>}]} {
    %get3A = arith.constant 0 : index
    %get3A_0 = arith.constant 0 : index
    %get3A_1 = vector.load %arg1[%get3A, %get3A_0] : memref<2000x32xf32, #tpu.memory_space<vmem>>, vector<2000x32xf32>
    %get3A_2 = arith.constant 0 : index
    %get3A_3 = arith.constant 0 : index
    %get3A_4 = vector.load %arg2[%get3A_2, %get3A_3] : memref<2000x32xf32, #tpu.memory_space<vmem>>, vector<2000x32xf32>
    %mul3A = arith.mulf %get3A_1, %get3A_4 : vector<2000x32xf32>
    %swap3A = arith.constant 0 : index
    %swap3A_5 = arith.constant 0 : index
    %swap3A_6 = vector.load %arg3[%swap3A, %swap3A_5] : memref<2000x32xf32, #tpu.memory_space<vmem>>, vector<2000x32xf32>
    tpu.vector_store %arg3[%swap3A, %swap3A_5], %mul3A {strides = array<i32>} : memref<2000x32xf32, #tpu.memory_space<vmem>>, vector<2000x32xf32>,
    return
  }
  func.func @transform_0(%arg0: i32) -> (i32, i32) {
    %c0_i32 = arith.constant 0 : i32
    %c0_i32_0 = arith.constant 0 : i32
    return %arg0, %c0_i32 : i32, i32
  }
  func.func @transform_1(%arg0: i32) -> (i32, i32) {
    %c0_i32 = arith.constant 0 : i32
    %c0_i32_0 = arith.constant 0 : i32
    return %arg0, %c0_i32 : i32, i32
  }
  func.func @transform_2(%arg0: i32) -> (i32, i32) {
    %c0_i32 = arith.constant 0 : i32
    %c0_i32_0 = arith.constant 0 : i32
    return %arg0, %c0_i32 : i32, i32
  }
}

module attributes {stable_mosaic.version = 14 : i64} {
  func.func @_l2_body(%arg0: i32, %arg1: memref<2x2000x32xf32, #tpu.memory_space<vmem>>, %arg2: memref<2000x32xf32, #tpu.memory_space<vmem>>, %arg3: memref<2000x32xf32, #tpu.memory_space<vmem>>, %arg4: memref<32x16xf32, #tpu.memory_space<vmem>>, %arg5: memref<2000x16xf32, #tpu.memory_space<vmem>>) attributes {dimension_semantics = [#tpu.dimension_semantics<arbitrary>], iteration_bounds = array<i64: 5>, scalar_prefetch = 0 : i64, scratch_operands = 0 : i64, tpu.core_type = #tpu.core_type<tc>, window_params = [{transform_indices = @transform_0, window_bounds = array<i64: 2, 2000, 32>}, {transform_indices = @transform_1, window_bounds = array<i64: 2000, 32>}, {transform_indices = @transform_2, window_bounds = array<i64: 2000, 32>}, {pipeline_mode = #tpu.pipeline_mode<synchronous>, transform_indices = @transform_3, window_bounds = array<i64: 32, 16>}, {transform_indices = @transform_4, window_bounds = array<i64: 2000, 16>}]} {
    %get3A = arith.constant 0 : index
    %get3A_0 = arith.constant 0 : index
    %get3A_1 = vector.load %arg3[%get3A, %get3A_0] : memref<2000x32xf32, #tpu.memory_space<vmem>>, vector<2000x32xf32>
    %get3A_2 = arith.constant 0 : index
    %get3A_3 = arith.constant 0 : index
    %get3A_4 = arith.constant 0 : index
    %get3A_5 = vector.load %arg1[%get3A_2, %get3A_3, %get3A_4] : memref<2x2000x32xf32, #tpu.memory_space<vmem>>, vector<1x2000x32xf32>
    %get3A_6 = vector.shape_cast %get3A_5 : vector<1x2000x32xf32> to vector<2000x32xf32>
    %get3A_7 = arith.constant 1 : index
    %get3A_8 = arith.constant 0 : index
    %get3A_9 = arith.constant 0 : index
    %get3A_10 = vector.load %arg1[%get3A_7, %get3A_8, %get3A_9] : memref<2x2000x32xf32, #tpu.memory_space<vmem>>, vector<1x2000x32xf32>
    %get3A_11 = vector.shape_cast %get3A_10 : vector<1x2000x32xf32> to vector<2000x32xf32>
    %add3A = arith.addf %get3A_6, %get3A_11 : vector<2000x32xf32>
    %get3A_12 = arith.constant 0 : index
    %get3A_13 = arith.constant 0 : index
    %get3A_14 = vector.load %arg2[%get3A_12, %get3A_13] : memref<2000x32xf32, #tpu.memory_space<vmem>>, vector<2000x32xf32>
    %add3A_15 = arith.addf %add3A, %get3A_14 : vector<2000x32xf32>
    %mul3A = arith.mulf %add3A_15, %get3A_1 : vector<2000x32xf32>
    %max3A = arith.constant 0.000000e+00 : f32
    %max3A_16 = vector.broadcast %max3A : f32 to vector<2000x32xf32>
    %max3A_17 = arith.maximumf %mul3A, %max3A_16 : vector<2000x32xf32>
    %get3A_18 = arith.constant 0 : index
    %get3A_19 = arith.constant 0 : index
    %get3A_20 = vector.load %arg4[%get3A_18, %get3A_19] : memref<32x16xf32, #tpu.memory_space<vmem>>, vector<32x16xf32>
    %dot_general3A = arith.constant dense<0.000000e+00> : vector<2000x16xf32>
    %dot_general3A_21 = tpu.matmul %max3A_17, %get3A_20, %dot_general3A {dimension_numbers = #tpu.dot_dimension_numbers<[1], [0], [0], [1], [0, 0, 1, 1], [], []>, transpose_lhs_hint = false} : vector<2000x32xf32>, vector<32x16xf32>, vector<2000x16xf32> -> vector<2000x16xf32>
    %slice3A = vector.extract_strided_slice %get3A_1 {offsets = [0, 0], sizes = [2000, 16], strides = [1, 1]} : vector<2000x32xf32> to vector<2000x16xf32>
    %mul3A_22 = arith.mulf %dot_general3A_21, %slice3A : vector<2000x16xf32>
    %swap3A = arith.constant 0 : index
    %swap3A_23 = arith.constant 0 : index
    %swap3A_24 = vector.load %arg5[%swap3A, %swap3A_23] : memref<2000x16xf32, #tpu.memory_space<vmem>>, vector<2000x16xf32>
    tpu.vector_store %arg5[%swap3A, %swap3A_23], %mul3A_22 {strides = array<i32>} : memref<2000x16xf32, #tpu.memory_space<vmem>>, vector<2000x16xf32>,
    return
  }
  func.func @transform_0(%arg0: i32) -> (i32, i32, i32) {
    %c0_i32 = arith.constant 0 : i32
    %c0_i32_0 = arith.constant 0 : i32
    %c0_i32_1 = arith.constant 0 : i32
    return %c0_i32, %arg0, %c0_i32_0 : i32, i32, i32
  }
  func.func @transform_1(%arg0: i32) -> (i32, i32) {
    %c0_i32 = arith.constant 0 : i32
    %c0_i32_0 = arith.constant 0 : i32
    return %arg0, %c0_i32 : i32, i32
  }
  func.func @transform_2(%arg0: i32) -> (i32, i32) {
    %c0_i32 = arith.constant 0 : i32
    %c0_i32_0 = arith.constant 0 : i32
    return %arg0, %c0_i32 : i32, i32
  }
  func.func @transform_3(%arg0: i32) -> (i32, i32) {
    %c0_i32 = arith.constant 0 : i32
    %c0_i32_0 = arith.constant 0 : i32
    %c0_i32_1 = arith.constant 0 : i32
    return %c0_i32, %c0_i32_0 : i32, i32
  }
  func.func @transform_4(%arg0: i32) -> (i32, i32) {
    %c0_i32 = arith.constant 0 : i32
    %c0_i32_0 = arith.constant 0 : i32
    return %arg0, %c0_i32 : i32, i32
  }
}

module attributes {stable_mosaic.version = 14 : i64} {
  func.func @_out_body(%arg0: i32, %arg1: memref<2x2000x16xf32, #tpu.memory_space<vmem>>, %arg2: memref<2000x16xf32, #tpu.memory_space<vmem>>, %arg3: memref<2000x32xf32, #tpu.memory_space<vmem>>, %arg4: memref<2000x16xf32, #tpu.memory_space<vmem>>) attributes {dimension_semantics = [#tpu.dimension_semantics<arbitrary>], iteration_bounds = array<i64: 5>, scalar_prefetch = 0 : i64, scratch_operands = 0 : i64, tpu.core_type = #tpu.core_type<tc>, window_params = [{transform_indices = @transform_0, window_bounds = array<i64: 2, 2000, 16>}, {transform_indices = @transform_1, window_bounds = array<i64: 2000, 16>}, {transform_indices = @transform_2, window_bounds = array<i64: 2000, 32>}, {transform_indices = @transform_3, window_bounds = array<i64: 2000, 16>}]} {
    %get3A = arith.constant 0 : index
    %get3A_0 = arith.constant 0 : index
    %get3A_1 = arith.constant 0 : index
    %get3A_2 = vector.load %arg1[%get3A, %get3A_0, %get3A_1] : memref<2x2000x16xf32, #tpu.memory_space<vmem>>, vector<1x2000x16xf32>
    %get3A_3 = vector.shape_cast %get3A_2 : vector<1x2000x16xf32> to vector<2000x16xf32>
    %get3A_4 = arith.constant 1 : index
    %get3A_5 = arith.constant 0 : index
    %get3A_6 = arith.constant 0 : index
    %get3A_7 = vector.load %arg1[%get3A_4, %get3A_5, %get3A_6] : memref<2x2000x16xf32, #tpu.memory_space<vmem>>, vector<1x2000x16xf32>
    %get3A_8 = vector.shape_cast %get3A_7 : vector<1x2000x16xf32> to vector<2000x16xf32>
    %add3A = arith.addf %get3A_3, %get3A_8 : vector<2000x16xf32>
    %get3A_9 = arith.constant 0 : index
    %get3A_10 = arith.constant 0 : index
    %get3A_11 = vector.load %arg2[%get3A_9, %get3A_10] : memref<2000x16xf32, #tpu.memory_space<vmem>>, vector<2000x16xf32>
    %add3A_12 = arith.addf %add3A, %get3A_11 : vector<2000x16xf32>
    %get3A_13 = arith.constant 0 : index
    %get3A_14 = arith.constant 0 : index
    %get3A_15 = vector.load %arg3[%get3A_13, %get3A_14] : memref<2000x32xf32, #tpu.memory_space<vmem>>, vector<2000x16xf32>
    %mul3A = arith.mulf %add3A_12, %get3A_15 : vector<2000x16xf32>
    %swap3A = arith.constant 0 : index
    %swap3A_16 = arith.constant 0 : index
    %swap3A_17 = vector.load %arg4[%swap3A, %swap3A_16] : memref<2000x16xf32, #tpu.memory_space<vmem>>, vector<2000x16xf32>
    tpu.vector_store %arg4[%swap3A, %swap3A_16], %mul3A {strides = array<i32>} : memref<2000x16xf32, #tpu.memory_space<vmem>>, vector<2000x16xf32>,
    return
  }
  func.func @transform_0(%arg0: i32) -> (i32, i32, i32) {
    %c0_i32 = arith.constant 0 : i32
    %c0_i32_0 = arith.constant 0 : i32
    %c0_i32_1 = arith.constant 0 : i32
    return %c0_i32, %arg0, %c0_i32_0 : i32, i32, i32
  }
  func.func @transform_1(%arg0: i32) -> (i32, i32) {
    %c0_i32 = arith.constant 0 : i32
    %c0_i32_0 = arith.constant 0 : i32
    return %arg0, %c0_i32 : i32, i32
  }
  func.func @transform_2(%arg0: i32) -> (i32, i32) {
    %c0_i32 = arith.constant 0 : i32
    %c0_i32_0 = arith.constant 0 : i32
    return %arg0, %c0_i32 : i32, i32
  }
  func.func @transform_3(%arg0: i32) -> (i32, i32) {
    %c0_i32 = arith.constant 0 : i32
    %c0_i32_0 = arith.constant 0 : i32
    return %arg0, %c0_i32 : i32, i32
  }
}

</mosaic_0001>

<sc_bundles>
// kernel: kernel.10.cloned.1.call-start
scs
__scs_entry_jumppad:
0x0: {  	(pc) =	sbr.rel $0x88, $3  }
0x1: {  	(tag) =	ssettag $0x0;
	lr =	simm.s32 $0x1  }
0x2: {  	[smem:$0x3F9D] =	sst lr;
	_ =	strace $0xD0000000  }
0x3: {  	_ = 	snop  }
0x4: {  	_ = 	snop  }
0x5: {  	_ = 	snop  }
0x6: {  	_ = 	snop  }
0x7: {  	_ = 	snop  }
__scs_overlays_trampoline_lowered:
0x8: {  	[smem:$0x3FAC] =	sst s0  }
0x9: {  	[smem:$0x3FAD] =	sst s1  }
0xa: {  	[smem:$0x3FAE] =	sst s2  }
0xb: {  	[smem:$0x3FAF] =	sst s3  }
0xc: {  	[smem:$0x3FB0] =	sst s4  }
0xd: {  	[smem:$0x3FB1] =	sst s5  }
0xe: {  	[smem:$0x3FB2] =	sst s6  }
0xf: {  	[smem:$0x3FB3] =	sst s7  }
0x10: {  	[smem:$0x3FB4] =	sst s8  }
0x11: {  	[smem:$0x3FB5] =	sst s9;
	s0 =	simm.s32 @!p0 $0x0  }
0x12: {  	s1 =	sld [smem:$0x3F9B];
	s0 =	simm.s32 @p0 $0x1  }
0x13: {  	[smem:$0x3FB6] =	sst s0;
	s0 =	simm.s32 @!p1 $0x0  }
0x14: {  	s2 =	sld [smem:$0x3F9A];
	s0 =	simm.s32 @p1 $0x1  }
0x15: {  	[smem:$0x3FB7] =	sst s0;
	s0 =	simm.s32 @!p2 $0x0  }
0x16: {  	s3 =	sld [smem:$0x3FDB];
	s0 =	simm.s32 @p2 $0x1  }
0x17: {  	s4 =	simm.s32 $0x1BF5;
	[smem:$0x3FB9] =	sst s0  }
0x18: {  	s0 =	sld [smem:$0x3F9C];
	_ =	swait.ge [sflag:s4], $0x0  }
0x19: {  	s7 =	sld [smem:$0x3F9D]  }
0x1a: {  	s8 =	sadd.s32 $0xFFFFE003, lr  }
0x1b: {  	s9 =	sadd.s32 $0xFFFFFEF7, lr;
	s5 =	simm.s32 $0xFFFFFFFF;
	p2 =	slt.u32 s8, $0xFFFFF086  }
0x1c: {  	p1 =	slt.u32 s9, $0xF7A;
	s5 =	simm.s32 @!p2 $0x0  }
0x1d: {  	s5 =	simm.s32 @p1 $0x1;
	p0 =	seq.s32 s7, s2  }
0x1e: {  	s7 =	smul.u32 @!p0 $0xF7A, s2;
	p2 =	seq.s32 @!p0 s5, $0x0  }
0x1f: {  	s9 =	smul.u32 $0xF7A, s1;
	s8 =	simm.s32 @!p0 $0x1BF5;
	p2 =	por !p2, p0  }
0x20: {  	[sflag:s8] =	ssyncset.s32 @!p0 $0xFFFFF086;
	s6 =	sadd.s32 @!p0 s3, s7;
	s7 =	simm.s32 @!p0 $0x108  }
0x21: {  	s3 =	sadd.s32 s3, s9;
	s6 =	sadd.s32 @!p0 $0x88, s6;
	s7 =	simm.s32 @p2 $0x1082  }
0x22: {  	[simem:s7], [sflag:s8] =	dma.local @!p0 [hbm:s6], $0xF7A  }
0x23: {  	s9 =	sor.u32 $0xD0000000, s2;
	s6 =	simm.s32 $0x108;
	_ =	swait.ge @!p0 [sflag:s8], $0x0  }
0x24: {  	s3 =	sadd.s32 $0x88, s3;
	s6 =	simm.s32 @!p1 $0x1082;
	[sflag:s4] =	ssyncset.s32 $0xFFFFF086  }
0x25: {  	[simem:s6], [sflag:s4] =	dma.local [hbm:s3], $0xF7A  }
0x26: {  	[smem:$0x3F9D] =	sst s1;
	(tag) =	ssettag s2;
	_ =	strace s9  }
0x27: {  	s1 =	sld [smem:$0x3FAD]  }
0x28: {  	s2 =	sld [smem:$0x3FAE]  }
0x29: {  	s4 =	sld [smem:$0x3FB0]  }
0x2a: {  	p0 =	seq.s32 s5, $0x0;
	s5 =	sld [smem:$0x3FB1]  }
0x2b: {  	s6 =	sld [smem:$0x3FB2]  }
0x2c: {  	s7 =	sld [smem:$0x3FB3]  }
0x2d: {  	s3 =	simm.s32 $0x108;
	s8 =	sld [smem:$0x3FB4]  }
0x2e: {  	s3 =	simm.s32 @!p0 $0x1082;
	s9 =	sld [smem:$0x3FB5]  }
0x2f: {  	lr =	sadd.s32 s0, s3;
	s0 =	sld [smem:$0x3FAC]  }
0x30: {  	s3 =	sld [smem:$0x3FAF]  }
0x31: {  	[smem:$0x3FB8] =	sst s10  }
0x32: {  	s10 =	sld [smem:$0x3FB6];
	_ =	sdelay $0x3  }
0x33: {  	p0 =	seq.s32 s10, $0x1;
	s10 =	sld [smem:$0x3FB8];
	_ =	sdelay $0x3  }
0x34: {  	[smem:$0x3FB8] =	sst s10  }
0x35: {  	s10 =	sld [smem:$0x3FB7];
	_ =	sdelay $0x3  }
0x36: {  	p1 =	seq.s32 s10, $0x1;
	s10 =	sld [smem:$0x3FB8];
	_ =	sdelay $0x3  }
0x37: {  	[smem:$0x3FB8] =	sst s10  }
0x38: {  	s10 =	sld [smem:$0x3FB9]  }
0x39: {  	_ = 	snop;
	(pc) =	sbr.ind lr, $3  }
0x3a: {  	_ = 	snop  }
0x3b: {  	_ = 	snop  }
0x3c: {  	p2 =	seq.s32 s10, $0x1;
	s10 =	sld [smem:$0x3FB8]  }
0x3d: {  	_ =	shalt  }
0x3e: {  	_ =	shalt  }
0x3f: {  	_ =	shalt  }
0x40: {  	_ =	shalt  }
0x41: {  	_ =	shalt  }
0x42: {  	_ =	shalt  }
0x43: {  	_ =	shalt  }
0x44: {  	_ =	shalt  }
0x45: {  	_ =	shalt  }
0x46: {  	_ =	shalt  }
0x47: {  	_ =	shalt  }
0x48: {  	_ =	shalt  }
0x49: {  	_ =	shalt  }
0x4a: {  	_ =	shalt  }
0x4b: {  	_ =	shalt  }
0x4c: {  	_ =	shalt  }
0x4d: {  	_ =	shalt  }
0x4e: {  	_ =	shalt  }
0x4f: {  	_ =	shalt  }
0x50: {  	_ =	shalt  }
0x51: {  	_ =	shalt  }
0x52: {  	_ =	shalt  }
0x53: {  	_ =	shalt  }
0x54: {  	_ =	shalt  }
0x55: {  	_ =	shalt  }
0x56: {  	_ =	shalt  }
0x57: {  	_ =	shalt  }
0x58: {  	_ =	shalt  }
0x59: {  	_ =	shalt  }
0x5a: {  	_ =	shalt  }
0x5b: {  	_ =	shalt  }
0x5c: {  	_ =	shalt  }
0x5d: {  	_ =	shalt  }
0x5e: {  	_ =	shalt  }
0x5f: {  	_ =	shalt  }
0x60: {  	_ =	shalt  }
0x61: {  	_ =	shalt  }
0x62: {  	_ =	shalt  }
0x63: {  	_ =	shalt  }
0x64: {  	_ =	shalt  }
0x65: {  	_ =	shalt  }
0x66: {  	_ =	shalt  }
0x67: {  	_ =	shalt  }
0x68: {  	_ =	shalt  }
0x69: {  	_ =	shalt  }
0x6a: {  	_ =	shalt  }
0x6b: {  	_ =	shalt  }
0x6c: {  	_ =	shalt  }
0x6d: {  	_ =	shalt  }
0x6e: {  	_ =	shalt  }
0x6f: {  	_ =	shalt  }
0x70: {  	_ =	shalt  }
0x71: {  	_ =	shalt  }
0x72: {  	_ =	shalt  }
0x73: {  	_ =	shalt  }
0x74: {  	_ =	shalt  }
0x75: {  	_ =	shalt  }
0x76: {  	_ =	shalt  }
0x77: {  	_ =	shalt  }
0x78: {  	_ =	shalt  }
0x79: {  	_ =	shalt  }
0x7a: {  	_ =	shalt  }
0x7b: {  	_ =	shalt  }
0x7c: {  	_ =	shalt  }
0x7d: {  	_ =	shalt  }
0x7e: {  	_ =	shalt  }
0x7f: {  	_ =	shalt  }
0x80: {  	_ =	shalt  }
0x81: {  	_ =	shalt  }
0x82: {  	_ =	shalt  }
0x83: {  	_ =	shalt  }
0x84: {  	_ =	shalt  }
0x85: {  	_ =	shalt  }
0x86: {  	_ =	shalt  }
0x87: {  	_ =	shalt  }
.Lfunc_end0:
.L_simem_size_0:
called_computation_lowered:
.L_overlay_start_0:
0x88: {  	s2 =	sld [smem:$0x3FD9]  }
0x89: {  	s3 =	sld [smem:$0x3FFE];
	_ =	sdelay $0x1  }
0x8a: {  	s1 =	srdreg.scid  }
0x8b: {  	s0 =	sand.u32 $0x1, s1  }
0x8c: {  	s16 =	sshll.u32 s0, $0xA;
	s2 =	sadd.s32 s3, s2  }
0x8d: {  	s2 =	sadd.s32 s2, s16  }
0x8e: {  	[smem:$0x3FC4] =	sst s2  }
0x8f: {  	_ = 	snop  }
0x90: {  	(tm) =	ssettm $0x1  }
0x91: {  	s17 =	sld [smem:$0x3FFB];
	_ =	sdelay $0x3  }
0x92: {  	_ =	strace s17  }
0x93: {  	s2 =	sld [smem:$0x3FFC];
	_ =	sdelay $0x3  }
0x94: {  	_ =	strace s2  }
0x95: {  	s2 =	sld [smem:$0x3FFD];
	_ =	sdelay $0x3  }
0x96: {  	_ =	strace s2  }
0x97: {  	_ =	strace $0x8FFFFFFF  }
0x98: {  	s18 =	sld [smem:$0x3FDB];
	_ =	sdelay $0x1  }
0x99: {  	s19 =	simm.s32 $_scs_section_size  }
0x9a: {  	s4 =	simm.s32 $_size__tile_overlayer_lowered;
	s5 =	simm.s32 $_tile_overlayer_lowered  }
0x9b: {  	s22 =	simm.s32 $0x1BFF;
	s21 =	sshll.u32 s5, $0x1;
	s2 =	sadd.s32 s19, s18  }
0x9c: {  	s6 =	simm.s32 $0x0;
	s20 =	sshll.u32 s4, $0x1;
	s4 =	sadd.s32 s21, s2  }
0x9d: {  	[timem:s6], [sflag:s22] =	dma.local [hbm:s4], s20  }
0x9e: {  	_ =	swait.ge [sflag:s22], s20  }
0x9f: {  	s3 =	ssub.s32 $0x0, s20;
	[sflag:s22] =	ssyncset.done $0x0  }
0xa0: {  	[sflag:s22] =	ssyncadd.s32 s3;
	_ =	sdelay $0x1  }
0xa1: {  	s23 =	simm.s32 $0x1B8B  }
0xa2: {  	_ =	swait.ge [sflag:s23], $0x1  }
0xa3: {  	[sflag:s23] =	ssyncset.done $0x0  }
0xa4: {  	s25 =	simm.s32 $0x1B8E;
	s24 =	sld [smem:$0x3FFE];
	[sflag:s23] =	ssyncadd.s32 $0xFFFFFFFF  }
0xa5: {  	s26 =	simm.s32 $execute0_lowered;
	[smem:$0x3FD2] =	sst s25  }
0xa6: {  	s4 =	sshll.u32 s26, $0x1;
	_ =	strace $0x80000046;
	[dreg:$0x1] =	wrdreg $0xFFFFFFFF  }
0xa7: {  	s28 =	simm.s32 $_size_execute0_lowered;
	s2 =	sadd.s32 s2, s4;
	[dreg:$0x0] =	wrdreg $0x0  }
0xa8: {  	s4 =	sshll.u32 s28, $0x1;
	[dreg:$0x2] =	wrdreg s2  }
0xa9: {  	[dreg:$0x3] =	wrdreg s4  }
0xaa: {  	[dreg:$0x4] =	wrdreg $0xC0  }
0xab: {  	_ =	task [dreg:s6], $0x5FFFF  }
0xac: {  	[dreg:$0x1] =	wrdreg $0xFFFFFFFF  }
0xad: {  	[dreg:$0x0] =	wrdreg $0x60  }
0xae: {  	[dreg:$0x2] =	wrdreg s24  }
0xaf: {  	[dreg:$0x3] =	wrdreg $0x9  }
0xb0: {  	_ =	task.clear_ibuf [dreg:s6], $0x4FFFF;
	_ =	strace $0x90000046  }
0xb1: {  	s29 =	simm.s32 $0x9;
	_ =	strace $0x80000048  }
0xb2: {  	_ =	swait.ge [sflag:s29], $0x1  }
0xb3: {  	[sflag:s29] =	ssyncadd.s32 $0xFFFFFFFF  }
0xb4: {  	_ =	strace $0x90000048  }
0xb5: {  	_ =	sfence  }
0xb6: {  	s30 =	sld [smem:$0x0];
	_ =	sdelay $0x2  }
0xb7: {  	s31 =	sshll.u32 s1, $0xD;
	s1 =	sshrl.u32 s1, $0x2  }
0xb8: {  	s3 =	sand.u32 $0x4000, s31;
	s1 =	sadd.s32 s1, s30  }
0xb9: {  	s0 =	sor.u32 s3, s0;
	s1 =	sshll.u32 s1, $0x11  }
0xba: {  	s0 =	sor.u32 s1, s0  }
0xbb: {  	s0 =	sadd.s32 $0x8F2B, s0  }
0xbc: {  	[sflag:s0] =	ssyncadd.remote.s32 $0x1  }
0xbd: {  	_ =	sfence.sel $0xFFFF  }
0xbe: {  	[dreg:$0x0] =	wrdreg $0xFFFFFFFF;
	(pc) =	sbr.abs _section_cstart, $3  }
0xbf: {  	[dreg:$0x1] =	wrdreg $0xFFFFFFFF  }
0xc0: {  	_ =	task.clear_ibuf [dreg:s6], $0x2FFFF;
	_ =	strace $0x9FFFFFFF  }
0xc1: {  	(tm) =	ssettm $0x7FFFFFFF  }
tec
execute0_lowered:
.L_overlay_start_1:
0x0: {  	(tag) =	ssettag $0x1  }
0x1: {  	s3 =	rddreg [dreg:$0x0]  }
0x2: {  	s0 =	rddreg [dreg:$0x1];
	s2 =	srdreg.scid  }
0x3: {  	s1 =	stileid.u32;
	s8 =	simm.s32 $0x80;
	s9 =	simm.s32 $0x400  }
0x4: {  	s4 =	sand.u32 $0x1, s2;
	s5 =	sshll.u32 s1, $0x1;
	s6 =	sshrl.u32 s1, $0x2  }
0x5: {  	s2 =	simm.s32 $0x0;
	s5 =	sor.u32 s4, s5;
	s6 =	smul.u32 $0x13C00, s6  }
0x6: {  	[smem:$0x7FF] =	sst s2;
	s7 =	sshll.u32 s5, $0x7;
	s5 =	smul.u32 $0x2800, s5  }
0x7: {  	s4 =	ssub.s32 $0x2, s4;
	_ =	strace $0x80000047;
	s7 =	sand.u32 $0x380, s7  }
0x8: {  	s31 =	sshrl.u32 s4, $0x1;
	s6 =	sor.u32 s6, s7;
	s5 =	sshrl.u32 s5, $0x3  }
0x9: {  	s7 =	ssub.s32 s4, s31;
	s6 =	sshrl.u32 s6, $0x3;
	s5 =	sadd.s32 s3, s5  }
0xa: {  	s6 =	sadd.s32 s6, s3;
	s3 =	sadd.s32 $0xBC00, s5;
	s5 =	smax.u32 s7, $0x1  }
0xb: {  	v0 =	vimm.f32 $0.0e+00;
	v1 =	vimm.f32 $1.000000000e+00;
	vm0 =	vcmask $0x3F0C;
	s7 =	simm.s32 $0x2800;
	s4 =	sadd.s32 $0x15C00, s6;
	s6 =	simm.s32 $0x1  }
.LBB2_1:
0xc: {  	s10 =	simm.s32 $0x40;
	s11 =	simm.s32 $0x0  }
.LBB2_2:
0xd: {  	p0 =	sne.s32 s10, $0x9C00;
	[tilespmem:s11+$0x2800] =	vst v0;
	s11 =	smov.u32 s10;
	s10 =	sadd.s32 $0x40, s10  }
.Ltmp0:
0xe: {  	(pc) =	sbr.rel @p0 .LBB2_2-.Ltmp0, $2  }
0xf: {  	_ =	sdelay $0x2  }
0x10: {  	s11 =	sshra.s32 s11, $0x2  }
0x11: {  	[tilespmem:s11+$0x2800] =	vst v0;
	s10 =	simm.s32 $0x0  }
0x12: {  	[tilespmem:s10], [sflag:$0x1] =	stream.linear.gather [hbm4b:s3+s10], $0x2800, $0x38;
	[tilespmem:$0x4F80] =	vst v63  }
0x13: {  	_ =	swait.ge [sflag:s6], $0x2800  }
0x14: {  	[sflag:s6] =	ssyncset.done $0x0  }
0x15: {  	[sflag:s6] =	ssyncadd.s32 $0xFFFFD800  }
.LBB2_4:
0x16: {  	s11 =	sshra.s32 s10, $0x2  }
0x17: {  	v2 =	vld [tilespmem:s11+$0x0];
	_ =	sdelay $0x7  }
0x18: {  	[tilespmem:v2+s7+$0x0] =	vst.idx.add.f32.msk $0xffff, v1  }
0x19: {  	v2 =	vld [tilespmem:s11+$0x10];
	_ =	sdelay $0x7  }
0x1a: {  	[tilespmem:v2+s7+$0x0] =	vst.idx.add.f32.msk $0xffff, v1  }
0x1b: {  	v2 =	vld [tilespmem:s11+$0x20];
	_ =	sdelay $0x7  }
0x1c: {  	[tilespmem:v2+s7+$0x0] =	vst.idx.add.f32.msk $0xffff, v1  }
0x1d: {  	v2 =	vld [tilespmem:s11+$0x30];
	_ =	sdelay $0x7  }
0x1e: {  	[tilespmem:v2+s7+$0x0] =	vst.idx.add.f32.msk $0xffff, v1  }
0x1f: {  	v2 =	vld [tilespmem:s11+$0x40];
	_ =	sdelay $0x7  }
0x20: {  	[tilespmem:v2+s7+$0x0] =	vst.idx.add.f32.msk $0xffff, v1  }
0x21: {  	v2 =	vld [tilespmem:s11+$0x50];
	_ =	sdelay $0x7  }
0x22: {  	[tilespmem:v2+s7+$0x0] =	vst.idx.add.f32.msk $0xffff, v1  }
0x23: {  	v2 =	vld [tilespmem:s11+$0x60];
	_ =	sdelay $0x7  }
0x24: {  	[tilespmem:v2+s7+$0x0] =	vst.idx.add.f32.msk $0xffff, v1  }
0x25: {  	v2 =	vld [tilespmem:s11+$0x6D];
	_ =	sdelay $0x2  }
0x26: {  	p0 =	sne.s32 s10, $0x9E00  }
.Ltmp1:
0x27: {  	_ = 	snop;
	(pc) =	sbr.rel @p0 .LBB2_4-.Ltmp1, $2  }
0x28: {  	_ =	sdelay $0x2  }
0x29: {  	s10 =	sadd.s32 $0x200, s10;
	[tilespmem:v2+s7+$0x0] =	vst.idx.add.f32.msk vm0, v1  }
0x2a: {  	s2 =	sadd.s32 $0x1, s2  }
0x2b: {  	p0 =	sne.s32 s2, s5  }
.Ltmp2:
0x2c: {  	_ = 	snop;
	(pc) =	sbr.rel @p0 .LBB2_1-.Ltmp2, $4  }
0x2d: {  	[hbm4b:s4+s8] =	stream.strided.scatter [tilespmem:s7], [sflag:$0x1], $0x2780, s9, s8, $0x38;
	[tilespmem:$0x4F80] =	vst v63  }
0x2e: {  	_ =	swait.ge [sflag:s6], $0x2780  }
0x2f: {  	[sflag:s6] =	ssyncset.done $0x0  }
0x30: {  	[sflag:s6] =	ssyncadd.s32 $0xFFFFD880  }
0x31: {  	_ =	sfence.sel $0x180000  }
0x32: {  	[bflag:$0x0] =	sbarrier.arrive $0xFFFF  }
0x33: {  	p0 =	sne.s32 s1, $0x0;
	_ =	strace $0x90000047  }
0x34: {  	s0 =	sadd.s32 @!p0 $0x100000, s0;
	[bflag:$0x2] =	sbarrier.arrive $0xFFFF  }
0x35: {  	[sflag:s0] =	ssyncadd.tile.s32 @!p0 $0x1;
	_ =	shalt  }
.Lfunc_end2:
_tile_overlayer_lowered:
.L_overlay_start_2:
0x36: {  	(tag) =	ssettag $0x2  }
0x37: {  	s0 =	rddreg [dreg:$0x0];
	s2 =	stileid.u32  }
0x38: {  	s1 =	rddreg [dreg:$0x1];
	p0 =	sne.s32 s2, $0x0  }
0x39: {  	s3 =	rddreg [dreg:$0x2];
	[bflag:$0x3] =	sbarrier.arrive $0xFFFF;
	s2 =	simm.s32 @!p0 $0x1C01  }
0x3a: {  	[timem:s3], [sflag:s2] =	dma.local @!p0 [hbm:s0], s1  }
0x3b: {  	s0 =	simm.s32 @!p0 $0x1  }
0x3c: {  	_ =	swait.ge @!p0 [sflag:s0], s1  }
0x3d: {  	s1 =	ssub.s32 @!p0 $0x0, s1;
	[sflag:s0] =	ssyncset.done @!p0 $0x0  }
0x3e: {  	[sflag:s0] =	ssyncadd.s32 @!p0 s1  }
0x3f: {  	[bflag:$0x3] =	sbarrier.arrive $0xFFFF  }
0x40: {  	_ =	shalt  }

// kernel: kernel.13.cloned.1.call-start
scs
__scs_entry_jumppad:
0x0: {  	(pc) =	sbr.rel $0x88, $3  }
0x1: {  	(tag) =	ssettag $0x0;
	lr =	simm.s32 $0x1  }
0x2: {  	[smem:$0x3F9D] =	sst lr;
	_ =	strace $0xD0000000  }
0x3: {  	_ = 	snop  }
0x4: {  	_ = 	snop  }
0x5: {  	_ = 	snop  }
0x6: {  	_ = 	snop  }
0x7: {  	_ = 	snop  }
__scs_overlays_trampoline_lowered:
0x8: {  	[smem:$0x3FAC] =	sst s0  }
0x9: {  	[smem:$0x3FAD] =	sst s1  }
0xa: {  	[smem:$0x3FAE] =	sst s2  }
0xb: {  	[smem:$0x3FAF] =	sst s3  }
0xc: {  	[smem:$0x3FB0] =	sst s4  }
0xd: {  	[smem:$0x3FB1] =	sst s5  }
0xe: {  	[smem:$0x3FB2] =	sst s6  }
0xf: {  	[smem:$0x3FB3] =	sst s7  }
0x10: {  	[smem:$0x3FB4] =	sst s8  }
0x11: {  	[smem:$0x3FB5] =	sst s9;
	s0 =	simm.s32 @!p0 $0x0  }
0x12: {  	s1 =	sld [smem:$0x3F9B];
	s0 =	simm.s32 @p0 $0x1  }
0x13: {  	[smem:$0x3FB6] =	sst s0;
	s0 =	simm.s32 @!p1 $0x0  }
0x14: {  	s2 =	sld [smem:$0x3F9A];
	s0 =	simm.s32 @p1 $0x1  }
0x15: {  	[smem:$0x3FB7] =	sst s0;
	s0 =	simm.s32 @!p2 $0x0  }
0x16: {  	s3 =	sld [smem:$0x3FDB];
	s0 =	simm.s32 @p2 $0x1  }
0x17: {  	s4 =	simm.s32 $0x1BF5;
	[smem:$0x3FB9] =	sst s0  }
0x18: {  	s0 =	sld [smem:$0x3F9C];
	_ =	swait.ge [sflag:s4], $0x0  }
0x19: {  	s7 =	sld [smem:$0x3F9D]  }
0x1a: {  	s8 =	sadd.s32 $0xFFFFE003, lr  }
0x1b: {  	s9 =	sadd.s32 $0xFFFFFEF7, lr;
	s5 =	simm.s32 $0xFFFFFFFF;
	p2 =	slt.u32 s8, $0xFFFFF086  }
0x1c: {  	p1 =	slt.u32 s9, $0xF7A;
	s5 =	simm.s32 @!p2 $0x0  }
0x1d: {  	s5 =	simm.s32 @p1 $0x1;
	p0 =	seq.s32 s7, s2  }
0x1e: {  	s7 =	smul.u32 @!p0 $0xF7A, s2;
	p2 =	seq.s32 @!p0 s5, $0x0  }
0x1f: {  	s9 =	smul.u32 $0xF7A, s1;
	s8 =	simm.s32 @!p0 $0x1BF5;
	p2 =	por !p2, p0  }
0x20: {  	[sflag:s8] =	ssyncset.s32 @!p0 $0xFFFFF086;
	s6 =	sadd.s32 @!p0 s3, s7;
	s7 =	simm.s32 @!p0 $0x108  }
0x21: {  	s3 =	sadd.s32 s3, s9;
	s6 =	sadd.s32 @!p0 $0x88, s6;
	s7 =	simm.s32 @p2 $0x1082  }
0x22: {  	[simem:s7], [sflag:s8] =	dma.local @!p0 [hbm:s6], $0xF7A  }
0x23: {  	s9 =	sor.u32 $0xD0000000, s2;
	s6 =	simm.s32 $0x108;
	_ =	swait.ge @!p0 [sflag:s8], $0x0  }
0x24: {  	s3 =	sadd.s32 $0x88, s3;
	s6 =	simm.s32 @!p1 $0x1082;
	[sflag:s4] =	ssyncset.s32 $0xFFFFF086  }
0x25: {  	[simem:s6], [sflag:s4] =	dma.local [hbm:s3], $0xF7A  }
0x26: {  	[smem:$0x3F9D] =	sst s1;
	(tag) =	ssettag s2;
	_ =	strace s9  }
0x27: {  	s1 =	sld [smem:$0x3FAD]  }
0x28: {  	s2 =	sld [smem:$0x3FAE]  }
0x29: {  	s4 =	sld [smem:$0x3FB0]  }
0x2a: {  	p0 =	seq.s32 s5, $0x0;
	s5 =	sld [smem:$0x3FB1]  }
0x2b: {  	s6 =	sld [smem:$0x3FB2]  }
0x2c: {  	s7 =	sld [smem:$0x3FB3]  }
0x2d: {  	s3 =	simm.s32 $0x108;
	s8 =	sld [smem:$0x3FB4]  }
0x2e: {  	s3 =	simm.s32 @!p0 $0x1082;
	s9 =	sld [smem:$0x3FB5]  }
0x2f: {  	lr =	sadd.s32 s0, s3;
	s0 =	sld [smem:$0x3FAC]  }
0x30: {  	s3 =	sld [smem:$0x3FAF]  }
0x31: {  	[smem:$0x3FB8] =	sst s10  }
0x32: {  	s10 =	sld [smem:$0x3FB6];
	_ =	sdelay $0x3  }
0x33: {  	p0 =	seq.s32 s10, $0x1;
	s10 =	sld [smem:$0x3FB8];
	_ =	sdelay $0x3  }
0x34: {  	[smem:$0x3FB8] =	sst s10  }
0x35: {  	s10 =	sld [smem:$0x3FB7];
	_ =	sdelay $0x3  }
0x36: {  	p1 =	seq.s32 s10, $0x1;
	s10 =	sld [smem:$0x3FB8];
	_ =	sdelay $0x3  }
0x37: {  	[smem:$0x3FB8] =	sst s10  }
0x38: {  	s10 =	sld [smem:$0x3FB9]  }
0x39: {  	_ = 	snop;
	(pc) =	sbr.ind lr, $3  }
0x3a: {  	_ = 	snop  }
0x3b: {  	_ = 	snop  }
0x3c: {  	p2 =	seq.s32 s10, $0x1;
	s10 =	sld [smem:$0x3FB8]  }
0x3d: {  	_ =	shalt  }
0x3e: {  	_ =	shalt  }
0x3f: {  	_ =	shalt  }
0x40: {  	_ =	shalt  }
0x41: {  	_ =	shalt  }
0x42: {  	_ =	shalt  }
0x43: {  	_ =	shalt  }
0x44: {  	_ =	shalt  }
0x45: {  	_ =	shalt  }
0x46: {  	_ =	shalt  }
0x47: {  	_ =	shalt  }
0x48: {  	_ =	shalt  }
0x49: {  	_ =	shalt  }
0x4a: {  	_ =	shalt  }
0x4b: {  	_ =	shalt  }
0x4c: {  	_ =	shalt  }
0x4d: {  	_ =	shalt  }
0x4e: {  	_ =	shalt  }
0x4f: {  	_ =	shalt  }
0x50: {  	_ =	shalt  }
0x51: {  	_ =	shalt  }
0x52: {  	_ =	shalt  }
0x53: {  	_ =	shalt  }
0x54: {  	_ =	shalt  }
0x55: {  	_ =	shalt  }
0x56: {  	_ =	shalt  }
0x57: {  	_ =	shalt  }
0x58: {  	_ =	shalt  }
0x59: {  	_ =	shalt  }
0x5a: {  	_ =	shalt  }
0x5b: {  	_ =	shalt  }
0x5c: {  	_ =	shalt  }
0x5d: {  	_ =	shalt  }
0x5e: {  	_ =	shalt  }
0x5f: {  	_ =	shalt  }
0x60: {  	_ =	shalt  }
0x61: {  	_ =	shalt  }
0x62: {  	_ =	shalt  }
0x63: {  	_ =	shalt  }
0x64: {  	_ =	shalt  }
0x65: {  	_ =	shalt  }
0x66: {  	_ =	shalt  }
0x67: {  	_ =	shalt  }
0x68: {  	_ =	shalt  }
0x69: {  	_ =	shalt  }
0x6a: {  	_ =	shalt  }
0x6b: {  	_ =	shalt  }
0x6c: {  	_ =	shalt  }
0x6d: {  	_ =	shalt  }
0x6e: {  	_ =	shalt  }
0x6f: {  	_ =	shalt  }
0x70: {  	_ =	shalt  }
0x71: {  	_ =	shalt  }
0x72: {  	_ =	shalt  }
0x73: {  	_ =	shalt  }
0x74: {  	_ =	shalt  }
0x75: {  	_ =	shalt  }
0x76: {  	_ =	shalt  }
0x77: {  	_ =	shalt  }
0x78: {  	_ =	shalt  }
0x79: {  	_ =	shalt  }
0x7a: {  	_ =	shalt  }
0x7b: {  	_ =	shalt  }
0x7c: {  	_ =	shalt  }
0x7d: {  	_ =	shalt  }
0x7e: {  	_ =	shalt  }
0x7f: {  	_ =	shalt  }
0x80: {  	_ =	shalt  }
0x81: {  	_ =	shalt  }
0x82: {  	_ =	shalt  }
0x83: {  	_ =	shalt  }
0x84: {  	_ =	shalt  }
0x85: {  	_ =	shalt  }
0x86: {  	_ =	shalt  }
0x87: {  	_ =	shalt  }
.Lfunc_end0:
.L_simem_size_0:
called_computation.1_lowered:
.L_overlay_start_0:
0x88: {  	s2 =	sld [smem:$0x3FD9]  }
0x89: {  	s3 =	sld [smem:$0x3FFE];
	_ =	sdelay $0x1  }
0x8a: {  	s1 =	srdreg.scid  }
0x8b: {  	s0 =	sand.u32 $0x1, s1  }
0x8c: {  	s16 =	sshll.u32 s0, $0xA;
	s2 =	sadd.s32 s3, s2  }
0x8d: {  	s2 =	sadd.s32 s2, s16  }
0x8e: {  	[smem:$0x3FC4] =	sst s2  }
0x8f: {  	_ = 	snop  }
0x90: {  	(tm) =	ssettm $0x1  }
0x91: {  	s17 =	sld [smem:$0x3FFB];
	_ =	sdelay $0x3  }
0x92: {  	_ =	strace s17  }
0x93: {  	s2 =	sld [smem:$0x3FFC];
	_ =	sdelay $0x3  }
0x94: {  	_ =	strace s2  }
0x95: {  	s2 =	sld [smem:$0x3FFD];
	_ =	sdelay $0x3  }
0x96: {  	_ =	strace s2  }
0x97: {  	_ =	strace $0x8FFFFFFF  }
0x98: {  	s18 =	sld [smem:$0x3FDB];
	_ =	sdelay $0x1  }
0x99: {  	s19 =	simm.s32 $_scs_section_size  }
0x9a: {  	s4 =	simm.s32 $_size__tile_overlayer_lowered;
	s5 =	simm.s32 $_tile_overlayer_lowered  }
0x9b: {  	s22 =	simm.s32 $0x1BFF;
	s21 =	sshll.u32 s5, $0x1;
	s2 =	sadd.s32 s19, s18  }
0x9c: {  	s6 =	simm.s32 $0x0;
	s20 =	sshll.u32 s4, $0x1;
	s4 =	sadd.s32 s21, s2  }
0x9d: {  	[timem:s6], [sflag:s22] =	dma.local [hbm:s4], s20  }
0x9e: {  	_ =	swait.ge [sflag:s22], s20  }
0x9f: {  	s3 =	ssub.s32 $0x0, s20;
	[sflag:s22] =	ssyncset.done $0x0  }
0xa0: {  	[sflag:s22] =	ssyncadd.s32 s3;
	_ =	sdelay $0x1  }
0xa1: {  	s23 =	simm.s32 $0x1B8B  }
0xa2: {  	_ =	swait.ge [sflag:s23], $0x1  }
0xa3: {  	[sflag:s23] =	ssyncset.done $0x0  }
0xa4: {  	s25 =	simm.s32 $0x1B8E;
	s24 =	sld [smem:$0x3FFE];
	[sflag:s23] =	ssyncadd.s32 $0xFFFFFFFF  }
0xa5: {  	s26 =	simm.s32 $execute0_lowered;
	[smem:$0x3FD2] =	sst s25  }
0xa6: {  	s4 =	sshll.u32 s26, $0x1;
	_ =	strace $0x80000049;
	[dreg:$0x1] =	wrdreg $0xFFFFFFFF  }
0xa7: {  	s28 =	simm.s32 $_size_execute0_lowered;
	s2 =	sadd.s32 s2, s4;
	[dreg:$0x0] =	wrdreg $0x0  }
0xa8: {  	s4 =	sshll.u32 s28, $0x1;
	[dreg:$0x2] =	wrdreg s2  }
0xa9: {  	[dreg:$0x3] =	wrdreg s4  }
0xaa: {  	[dreg:$0x4] =	wrdreg $0xC0  }
0xab: {  	_ =	task [dreg:s6], $0x5FFFF  }
0xac: {  	[dreg:$0x1] =	wrdreg $0xFFFFFFFF  }
0xad: {  	[dreg:$0x0] =	wrdreg $0x60  }
0xae: {  	[dreg:$0x2] =	wrdreg s24  }
0xaf: {  	[dreg:$0x3] =	wrdreg $0x11B200  }
0xb0: {  	[dreg:$0x4] =	wrdreg $0x9  }
0xb1: {  	_ =	task.clear_ibuf [dreg:s6], $0x5FFFF;
	_ =	strace $0x90000049  }
0xb2: {  	s29 =	simm.s32 $0x9;
	_ =	strace $0x8000004B  }
0xb3: {  	_ =	swait.ge [sflag:s29], $0x1  }
0xb4: {  	[sflag:s29] =	ssyncadd.s32 $0xFFFFFFFF  }
0xb5: {  	_ =	strace $0x9000004B  }
0xb6: {  	_ =	sfence  }
0xb7: {  	s30 =	sld [smem:$0x0];
	_ =	sdelay $0x2  }
0xb8: {  	s31 =	sshll.u32 s1, $0xD;
	s1 =	sshrl.u32 s1, $0x2  }
0xb9: {  	s3 =	sand.u32 $0x4000, s31;
	s1 =	sadd.s32 s1, s30  }
0xba: {  	s0 =	sor.u32 s3, s0;
	s1 =	sshll.u32 s1, $0x11  }
0xbb: {  	s0 =	sor.u32 s1, s0  }
0xbc: {  	s0 =	sadd.s32 $0x8F2B, s0  }
0xbd: {  	[sflag:s0] =	ssyncadd.remote.s32 $0x1  }
0xbe: {  	_ =	sfence.sel $0xFFFF  }
0xbf: {  	[dreg:$0x0] =	wrdreg $0xFFFFFFFF;
	(pc) =	sbr.abs _section_cstart, $3  }
0xc0: {  	[dreg:$0x1] =	wrdreg $0xFFFFFFFF  }
0xc1: {  	_ =	task.clear_ibuf [dreg:s6], $0x2FFFF;
	_ =	strace $0x9FFFFFFF  }
0xc2: {  	(tm) =	ssettm $0x7FFFFFFF  }
0xc3: {  	_ =	shalt  }
tec
execute0_lowered:
.L_overlay_start_1:
0x0: {  	(tag) =	ssettag $0x1  }
0x1: {  	s0 =	srdreg.scid;
	s5 =	rddreg [dreg:$0x0]  }
0x2: {  	s4 =	stileid.u32;
	s2 =	rddreg [dreg:$0x1];
	s3 =	simm.s32 $0x0  }
0x3: {  	s10 =	simm.s32 $0x11;
	s11 =	simm.s32 $0x2800;
	s13 =	simm.s32 $0x7D  }
0x4: {  	s14 =	simm.s32 $0x5000;
	s28 =	simm.s32 $0x1;
	s31 =	simm.s32 $0x9  }
0x5: {  	s12 =	simm.s32 $0xC;
	s15 =	simm.s32 $0xD;
	s16 =	simm.s32 $0xE  }
0x6: {  	s17 =	simm.s32 $0xF;
	s18 =	simm.s32 $0x10;
	s19 =	simm.s32 $0x0  }
0x7: {  	s0 =	sand.u32 $0x1, s0;
	s1 =	sshll.u32 s4, $0x1;
	s7 =	smul.u32 $0x4E20, s4  }
0x8: {  	[smem:$0x7FF] =	sst s3;
	s1 =	sor.u32 s0, s1;
	s6 =	smul.u32 $0x4E200, s0  }
0x9: {  	s4 =	sadd.s32 $0x1C00, s5;
	s0 =	ssub.s32 $0x2, s0;
	s1 =	smul.u32 $0x2800, s1  }
0xa: {  	_ =	strace $0x8000004A;
	s8 =	sshrl.u32 s0, $0x1;
	s6 =	sadd.s32 s7, s6  }
0xb: {  	s0 =	ssub.s32 s0, s8;
	s1 =	sshrl.u32 s1, $0x3;
	s6 =	sshrl.u32 s6, $0x3  }
0xc: {  	s7 =	sadd.s32 s7, s2;
	s1 =	sadd.s32 s1, s5;
	s9 =	sadd.s32 s6, s5  }
0xd: {  	s5 =	sadd.s32 $0x1FA00, s1;
	s6 =	sadd.s32 $0x29A00, s1;
	s8 =	sadd.s32 $0xBA00, s9  }
0xe: {  	v0 =	vimm.f32 $0.0e+00;
	s9 =	smax.u32 s0, $0x1;
	s1 =	simm.s32 $0xA;
	s0 =	simm.s32 $0xB  }
.LBB2_1:
0xf: {  	[tilespmem:s3], [sflag:$0x11] =	stream.linear.gather [hbm4b:s5+s3], $0x2800, $0x38;
	[tilespmem:$0x16940] =	vst v63  }
0x10: {  	_ =	swait.ge [sflag:s10], $0x2800  }
0x11: {  	[sflag:s10] =	ssyncset.done $0x0  }
0x12: {  	[sflag:s10] =	ssyncadd.s32 $0xFFFFD800  }
0x13: {  	[tilespmem:s11], [sflag:$0x11] =	stream.linear.gather [hbm4b:s6+s3], $0x2800, $0x38;
	[tilespmem:$0x16940] =	vst v63  }
0x14: {  	_ =	swait.ge [sflag:s10], $0x2800  }
0x15: {  	[sflag:s10] =	ssyncset.done $0x0  }
0x16: {  	s20 =	simm.s32 $0x80;
	s21 =	simm.s32 $0x0;
	[sflag:s10] =	ssyncadd.s32 $0xFFFFD800  }
.LBB2_2:
0x17: {  	p0 =	sne.s32 s20, $0x13800;
	[tilespmem:s21+$0xCD00] =	vst v0;
	s22 =	smov.u32 s20;
	s20 =	sadd.s32 $0x80, s20  }
.Ltmp0:
0x18: {  	[tilespmem:s21+$0xCD10] =	vst v0;
	(pc) =	sbr.rel @p0 .LBB2_2-.Ltmp0, $2  }
0x19: {  	_ =	sdelay $0x2  }
0x1a: {  	s21 =	sshra.s32 s22, $0x2  }
0x1b: {  	[tilespmem:s21+$0xCD00] =	vst v0  }
0x1c: {  	[tilespmem:s21+$0xCD10] =	vst v0;
	s20 =	simm.s32 $0xCD00  }
0x1d: {  	[spmem:s7] =	stream.linear.scatter [tilespmem:s20], [sflag:$0x11], $0x4E20, $0x38;
	[tilespmem:$0x16940] =	vst v63  }
0x1e: {  	_ =	swait.ge [sflag:s10], $0x4E20  }
0x1f: {  	[sflag:s10] =	ssyncset.done $0x0  }
0x20: {  	[sflag:s10] =	ssyncadd.s32 $0xFFFFB1E0  }
0x21: {  	[bflag:$0x0] =	sbarrier.arrive $0xFFFF  }
0x22: {  	[tilespmem:s14], [sflag:$0x1] =	stream.indirect.gather [hbm4b:s4+s13], $0x20, s3, s13, $0xb8;
	[tilespmem:$0x16940] =	vst v63  }
0x23: {  	s24 =	simm.s32 $0x80;
	s25 =	simm.s32 $0x5FA0  }
0x24: {  	[tilespmem:s25], [sflag:$0x2] =	stream.indirect.gather [hbm4b:s4+s13], $0x20, s24, s13, $0xb8;
	[tilespmem:$0x16940] =	vst v63  }
0x25: {  	s26 =	simm.s32 $0x100;
	s30 =	simm.s32 $0x6F40  }
0x26: {  	[tilespmem:s30], [sflag:$0x3] =	stream.indirect.gather [hbm4b:s4+s13], $0x20, s26, s13, $0xb8;
	[tilespmem:$0x16940] =	vst v63  }
0x27: {  	s22 =	simm.s32 $0x180;
	s23 =	simm.s32 $0x7EE0  }
0x28: {  	[tilespmem:s23], [sflag:$0x4] =	stream.indirect.gather [hbm4b:s4+s13], $0x20, s22, s13, $0xb8;
	[tilespmem:$0x16940] =	vst v63  }
0x29: {  	s24 =	simm.s32 $0x200;
	s25 =	simm.s32 $0x8E80  }
0x2a: {  	[tilespmem:s25], [sflag:$0x5] =	stream.indirect.gather [hbm4b:s4+s13], $0x20, s24, s13, $0xb8;
	[tilespmem:$0x16940] =	vst v63  }
0x2b: {  	s26 =	simm.s32 $0x280;
	s30 =	simm.s32 $0x9E20  }
0x2c: {  	[tilespmem:s30], [sflag:$0x6] =	stream.indirect.gather [hbm4b:s4+s13], $0x20, s26, s13, $0xb8;
	[tilespmem:$0x16940] =	vst v63  }
0x2d: {  	s22 =	simm.s32 $0x300;
	s23 =	simm.s32 $0xADC0  }
0x2e: {  	[tilespmem:s23], [sflag:$0x7] =	stream.indirect.gather [hbm4b:s4+s13], $0x20, s22, s13, $0xb8;
	[tilespmem:$0x16940] =	vst v63  }
0x2f: {  	_ =	swait.ge [sflag:s28], $0xFA0  }
0x30: {  	p0 =	por $0x0, $0x0;
	s20 =	simm.s32 $0x400;
	[sflag:s28] =	ssyncset.done $0x0  }
0x31: {  	s29 =	simm.s32 @!p0 $0x7D;
	s26 =	simm.s32 $0x1;
	[sflag:s28] =	ssyncadd.s32 $0xFFFFF060  }
0x32: {  	[spmem:s2] =	stream.indirect.scatter.add.f32 [tilespmem:s14], [sflag:$0x9], $0x20, s11, s13, $0xb8;
	[tilespmem:$0x16940] =	vst v63  }
0x33: {  	s24 =	simm.s32 $0x380;
	s25 =	simm.s32 $0xBD60;
	s30 =	sand.u32 $0x7, s26  }
0x34: {  	[tilespmem:s25], [sflag:$0x8] =	stream.indirect.gather [hbm4b:s4+s13], $0x20, s24, s13, $0xb8;
	[tilespmem:$0x16940] =	vst v63  }
0x35: {  	s22 =	simm.s32 $0x8;
	s23 =	smul.u32 $0x3E80, s30;
	s24 =	sadd.s32 $0x1, s30  }
0x36: {  	s21 =	sadd.s32 $0x9, s30;
	s22 =	sand.u32 @!p0 $0x7, s22;
	_ =	swait.ge [sflag:s24], $0xFA0  }
0x37: {  	s23 =	sshrl.u32 s23, $0x2;
	s26 =	smul.u32 @!p0 $0x3E80, s22;
	[sflag:s24] =	ssyncset.done $0x0  }
0x38: {  	s23 =	sadd.s32 $0x5000, s23;
	s25 =	simm.s32 $0x2880;
	[sflag:s24] =	ssyncadd.s32 $0xFFFFF060  }
0x39: {  	[spmem:s2] =	stream.indirect.scatter.add.f32 [tilespmem:s23], [sflag:s21], $0x20, s25, s13, $0xb8;
	[tilespmem:$0x16940] =	vst v63  }
0x3a: {  	s24 =	sadd.s32 @!p0 $0x9, s22;
	s21 =	simm.s32 $0x9;
	s25 =	sadd.s32 @!p0 $0x1, s22  }
0x3b: {  	s23 =	sshrl.u32 @!p0 s26, $0x2;
	s22 =	simm.s32 $0x2900;
	_ =	swait.ge @!p0 [sflag:s24], $0xFA0  }
0x3c: {  	s26 =	sadd.s32 @!p0 $0x5000, s23;
	s23 =	simm.s32 $0x400;
	[sflag:s24] =	ssyncset.done @!p0 $0x0  }
.LBB2_4:
0x3d: {  	[sflag:s24] =	ssyncadd.s32 @!p0 $0xFFFFF060  }
0x3e: {  	s20 =	sadd.s32 $0x80, s20;
	s24 =	smov.u32 s21;
	s21 =	sadd.s32 $0x1, s21  }
0x3f: {  	[tilespmem:s26], [sflag:s25] =	stream.indirect.gather @!p0 [hbm4b:s4+s29], $0x20, s23, s29, $0xb8;
	[tilespmem:$0x16940] =	vst v63  }
0x40: {  	s25 =	sadd.s32 $0xFFFFFFF9, s24;
	p1 =	sne.s32 s21, $0x57;
	s23 =	smov.u32 s20  }
0x41: {  	s26 =	sand.u32 $0x7, s25  }
0x42: {  	s29 =	smul.u32 $0x3E80, s26;
	s30 =	sadd.s32 $0x1, s26  }
0x43: {  	p0 =	sgt.u32 s25, $0x48;
	s26 =	sadd.s32 $0x9, s26;
	_ =	swait.ge [sflag:s30], $0xFA0  }
0x44: {  	s25 =	sand.u32 @!p0 $0x7, s24;
	s29 =	sshrl.u32 s29, $0x2;
	[sflag:s30] =	ssyncset.done $0x0  }
.Ltmp1:
0x45: {  	s29 =	sadd.s32 $0x5000, s29;
	[sflag:s30] =	ssyncadd.s32 $0xFFFFF060;
	(pc) =	sbr.rel @p1 .LBB2_4-.Ltmp1, $4  }
0x46: {  	s24 =	sadd.s32 @!p0 $0x9, s25;
	s30 =	smul.u32 @!p0 $0x3E80, s25;
	s25 =	sadd.s32 @!p0 $0x1, s25  }
0x47: {  	[spmem:s2] =	stream.indirect.scatter.add.f32 [tilespmem:s29], [sflag:s26], $0x20, s22, s13, $0xb8;
	[tilespmem:$0x16940] =	vst v63  }
0x48: {  	s26 =	sshrl.u32 @!p0 s30, $0x2;
	s22 =	sadd.s32 $0x80, s22;
	_ =	swait.ge @!p0 [sflag:s24], $0xFA0  }
0x49: {  	s29 =	simm.s32 @!p0 $0x7D;
	s26 =	sadd.s32 @!p0 $0x5000, s26;
	[sflag:s24] =	ssyncset.done @!p0 $0x0  }
0x4a: {  	[sflag:s24] =	ssyncadd.s32 @!p0 $0xFFFFF060  }
0x4b: {  	[tilespmem:s26], [sflag:s25] =	stream.indirect.gather @!p0 [hbm4b:s4+s29], $0x20, s23, s29, $0xb8;
	[tilespmem:$0x16940] =	vst v63  }
0x4c: {  	_ =	swait.ge [sflag:s31], $0xFA0  }
0x4d: {  	[sflag:s31] =	ssyncset.done $0x0  }
0x4e: {  	[sflag:s31] =	ssyncadd.s32 $0xFFFFF060  }
0x4f: {  	_ =	swait.ge [sflag:s1], $0xFA0  }
0x50: {  	[sflag:s1] =	ssyncset.done $0x0  }
0x51: {  	[sflag:s1] =	ssyncadd.s32 $0xFFFFF060  }
0x52: {  	_ =	swait.ge [sflag:s0], $0xFA0  }
0x53: {  	[sflag:s0] =	ssyncset.done $0x0  }
0x54: {  	[sflag:s0] =	ssyncadd.s32 $0xFFFFF060  }
0x55: {  	_ =	swait.ge [sflag:s12], $0xFA0  }
0x56: {  	[sflag:s12] =	ssyncset.done $0x0  }
0x57: {  	[sflag:s12] =	ssyncadd.s32 $0xFFFFF060  }
0x58: {  	_ =	swait.ge [sflag:s15], $0xFA0  }
0x59: {  	[sflag:s15] =	ssyncset.done $0x0  }
0x5a: {  	[sflag:s15] =	ssyncadd.s32 $0xFFFFF060  }
0x5b: {  	_ =	swait.ge [sflag:s16], $0xFA0  }
0x5c: {  	[sflag:s16] =	ssyncset.done $0x0  }
0x5d: {  	[sflag:s16] =	ssyncadd.s32 $0xFFFFF060  }
0x5e: {  	_ =	swait.ge [sflag:s17], $0xFA0  }
0x5f: {  	[sflag:s17] =	ssyncset.done $0x0  }
0x60: {  	[sflag:s17] =	ssyncadd.s32 $0xFFFFF060  }
0x61: {  	s20 =	stileid.u32;
	_ =	swait.ge [sflag:s18], $0xFA0  }
0x62: {  	s21 =	sshrl.u32 s7, $0x3;
	s19 =	sadd.s32 $0x1, s19;
	[sflag:s18] =	ssyncset.done $0x0  }
0x63: {  	s20 =	sshll.u32 s20, $0x6;
	p0 =	sne.s32 s19, s9;
	[sflag:s18] =	ssyncadd.s32 $0xFFFFF060  }
.Ltmp2:
0x64: {  	s20 =	sor.u32 $0x1C11, s20;
	[bflag:$0x0] =	sbarrier.arrive $0xFFFF;
	(pc) =	sbr.rel @p0 .LBB2_1-.Ltmp2, $4  }
0x65: {  	[hbm:s8], [sflag:s20] =	dma.local [spmem:s21], $0x9C4  }
0x66: {  	_ =	swait.ge [sflag:s10], $0x9C4  }
0x67: {  	[sflag:s10] =	ssyncset.done $0x0  }
0x68: {  	[sflag:s10] =	ssyncadd.s32 $0xFFFFF63C  }
0x69: {  	_ =	sfence.sel $0x180000  }
0x6a: {  	[bflag:$0x0] =	sbarrier.arrive $0xFFFF  }
0x6b: {  	_ =	strace $0x9000004A  }
0x6c: {  	s0 =	stileid.u32;
	[bflag:$0x2] =	sbarrier.arrive $0xFFFF  }
0x6d: {  	p0 =	sne.s32 s0, $0x0;
	s0 =	rddreg [dreg:$0x2]  }
0x6e: {  	s0 =	sadd.s32 @!p0 $0x100000, s0  }
0x6f: {  	[sflag:s0] =	ssyncadd.tile.s32 @!p0 $0x1;
	_ =	shalt  }
.Lfunc_end2:
_tile_overlayer_lowered:
.L_overlay_start_2:
0x70: {  	(tag) =	ssettag $0x2  }
0x71: {  	s0 =	rddreg [dreg:$0x0];
	s2 =	stileid.u32  }
0x72: {  	s1 =	rddreg [dreg:$0x1];
	p0 =	sne.s32 s2, $0x0  }
0x73: {  	s3 =	rddreg [dreg:$0x2];
	[bflag:$0x3] =	sbarrier.arrive $0xFFFF;
	s2 =	simm.s32 @!p0 $0x1C11  }
0x74: {  	[timem:s3], [sflag:s2] =	dma.local @!p0 [hbm:s0], s1  }
0x75: {  	s0 =	simm.s32 @!p0 $0x11  }
0x76: {  	_ =	swait.ge @!p0 [sflag:s0], s1  }
0x77: {  	s1 =	ssub.s32 @!p0 $0x0, s1;
	[sflag:s0] =	ssyncset.done @!p0 $0x0  }
0x78: {  	[sflag:s0] =	ssyncadd.s32 @!p0 s1  }
0x79: {  	[bflag:$0x3] =	sbarrier.arrive $0xFFFF  }
0x7a: {  	_ =	shalt  }

// kernel: kernel.16.cloned.1.call-start
scs
__scs_entry_jumppad:
0x0: {  	(pc) =	sbr.rel $0x88, $3  }
0x1: {  	(tag) =	ssettag $0x0;
	lr =	simm.s32 $0x1  }
0x2: {  	[smem:$0x3F9D] =	sst lr;
	_ =	strace $0xD0000000  }
0x3: {  	_ = 	snop  }
0x4: {  	_ = 	snop  }
0x5: {  	_ = 	snop  }
0x6: {  	_ = 	snop  }
0x7: {  	_ = 	snop  }
__scs_overlays_trampoline_lowered:
0x8: {  	[smem:$0x3FAC] =	sst s0  }
0x9: {  	[smem:$0x3FAD] =	sst s1  }
0xa: {  	[smem:$0x3FAE] =	sst s2  }
0xb: {  	[smem:$0x3FAF] =	sst s3  }
0xc: {  	[smem:$0x3FB0] =	sst s4  }
0xd: {  	[smem:$0x3FB1] =	sst s5  }
0xe: {  	[smem:$0x3FB2] =	sst s6  }
0xf: {  	[smem:$0x3FB3] =	sst s7  }
0x10: {  	[smem:$0x3FB4] =	sst s8  }
0x11: {  	[smem:$0x3FB5] =	sst s9;
	s0 =	simm.s32 @!p0 $0x0  }
0x12: {  	s1 =	sld [smem:$0x3F9B];
	s0 =	simm.s32 @p0 $0x1  }
0x13: {  	[smem:$0x3FB6] =	sst s0;
	s0 =	simm.s32 @!p1 $0x0  }
0x14: {  	s2 =	sld [smem:$0x3F9A];
	s0 =	simm.s32 @p1 $0x1  }
0x15: {  	[smem:$0x3FB7] =	sst s0;
	s0 =	simm.s32 @!p2 $0x0  }
0x16: {  	s3 =	sld [smem:$0x3FDB];
	s0 =	simm.s32 @p2 $0x1  }
0x17: {  	s4 =	simm.s32 $0x1BF5;
	[smem:$0x3FB9] =	sst s0  }
0x18: {  	s0 =	sld [smem:$0x3F9C];
	_ =	swait.ge [sflag:s4], $0x0  }
0x19: {  	s7 =	sld [smem:$0x3F9D]  }
0x1a: {  	s8 =	sadd.s32 $0xFFFFE003, lr  }
0x1b: {  	s9 =	sadd.s32 $0xFFFFFEF7, lr;
	s5 =	simm.s32 $0xFFFFFFFF;
	p2 =	slt.u32 s8, $0xFFFFF086  }
0x1c: {  	p1 =	slt.u32 s9, $0xF7A;
	s5 =	simm.s32 @!p2 $0x0  }
0x1d: {  	s5 =	simm.s32 @p1 $0x1;
	p0 =	seq.s32 s7, s2  }
0x1e: {  	s7 =	smul.u32 @!p0 $0xF7A, s2;
	p2 =	seq.s32 @!p0 s5, $0x0  }
0x1f: {  	s9 =	smul.u32 $0xF7A, s1;
	s8 =	simm.s32 @!p0 $0x1BF5;
	p2 =	por !p2, p0  }
0x20: {  	[sflag:s8] =	ssyncset.s32 @!p0 $0xFFFFF086;
	s6 =	sadd.s32 @!p0 s3, s7;
	s7 =	simm.s32 @!p0 $0x108  }
0x21: {  	s3 =	sadd.s32 s3, s9;
	s6 =	sadd.s32 @!p0 $0x88, s6;
	s7 =	simm.s32 @p2 $0x1082  }
0x22: {  	[simem:s7], [sflag:s8] =	dma.local @!p0 [hbm:s6], $0xF7A  }
0x23: {  	s9 =	sor.u32 $0xD0000000, s2;
	s6 =	simm.s32 $0x108;
	_ =	swait.ge @!p0 [sflag:s8], $0x0  }
0x24: {  	s3 =	sadd.s32 $0x88, s3;
	s6 =	simm.s32 @!p1 $0x1082;
	[sflag:s4] =	ssyncset.s32 $0xFFFFF086  }
0x25: {  	[simem:s6], [sflag:s4] =	dma.local [hbm:s3], $0xF7A  }
0x26: {  	[smem:$0x3F9D] =	sst s1;
	(tag) =	ssettag s2;
	_ =	strace s9  }
0x27: {  	s1 =	sld [smem:$0x3FAD]  }
0x28: {  	s2 =	sld [smem:$0x3FAE]  }
0x29: {  	s4 =	sld [smem:$0x3FB0]  }
0x2a: {  	p0 =	seq.s32 s5, $0x0;
	s5 =	sld [smem:$0x3FB1]  }
0x2b: {  	s6 =	sld [smem:$0x3FB2]  }
0x2c: {  	s7 =	sld [smem:$0x3FB3]  }
0x2d: {  	s3 =	simm.s32 $0x108;
	s8 =	sld [smem:$0x3FB4]  }
0x2e: {  	s3 =	simm.s32 @!p0 $0x1082;
	s9 =	sld [smem:$0x3FB5]  }
0x2f: {  	lr =	sadd.s32 s0, s3;
	s0 =	sld [smem:$0x3FAC]  }
0x30: {  	s3 =	sld [smem:$0x3FAF]  }
0x31: {  	[smem:$0x3FB8] =	sst s10  }
0x32: {  	s10 =	sld [smem:$0x3FB6];
	_ =	sdelay $0x3  }
0x33: {  	p0 =	seq.s32 s10, $0x1;
	s10 =	sld [smem:$0x3FB8];
	_ =	sdelay $0x3  }
0x34: {  	[smem:$0x3FB8] =	sst s10  }
0x35: {  	s10 =	sld [smem:$0x3FB7];
	_ =	sdelay $0x3  }
0x36: {  	p1 =	seq.s32 s10, $0x1;
	s10 =	sld [smem:$0x3FB8];
	_ =	sdelay $0x3  }
0x37: {  	[smem:$0x3FB8] =	sst s10  }
0x38: {  	s10 =	sld [smem:$0x3FB9]  }
0x39: {  	_ = 	snop;
	(pc) =	sbr.ind lr, $3  }
0x3a: {  	_ = 	snop  }
0x3b: {  	_ = 	snop  }
0x3c: {  	p2 =	seq.s32 s10, $0x1;
	s10 =	sld [smem:$0x3FB8]  }
0x3d: {  	_ =	shalt  }
0x3e: {  	_ =	shalt  }
0x3f: {  	_ =	shalt  }
0x40: {  	_ =	shalt  }
0x41: {  	_ =	shalt  }
0x42: {  	_ =	shalt  }
0x43: {  	_ =	shalt  }
0x44: {  	_ =	shalt  }
0x45: {  	_ =	shalt  }
0x46: {  	_ =	shalt  }
0x47: {  	_ =	shalt  }
0x48: {  	_ =	shalt  }
0x49: {  	_ =	shalt  }
0x4a: {  	_ =	shalt  }
0x4b: {  	_ =	shalt  }
0x4c: {  	_ =	shalt  }
0x4d: {  	_ =	shalt  }
0x4e: {  	_ =	shalt  }
0x4f: {  	_ =	shalt  }
0x50: {  	_ =	shalt  }
0x51: {  	_ =	shalt  }
0x52: {  	_ =	shalt  }
0x53: {  	_ =	shalt  }
0x54: {  	_ =	shalt  }
0x55: {  	_ =	shalt  }
0x56: {  	_ =	shalt  }
0x57: {  	_ =	shalt  }
0x58: {  	_ =	shalt  }
0x59: {  	_ =	shalt  }
0x5a: {  	_ =	shalt  }
0x5b: {  	_ =	shalt  }
0x5c: {  	_ =	shalt  }
0x5d: {  	_ =	shalt  }
0x5e: {  	_ =	shalt  }
0x5f: {  	_ =	shalt  }
0x60: {  	_ =	shalt  }
0x61: {  	_ =	shalt  }
0x62: {  	_ =	shalt  }
0x63: {  	_ =	shalt  }
0x64: {  	_ =	shalt  }
0x65: {  	_ =	shalt  }
0x66: {  	_ =	shalt  }
0x67: {  	_ =	shalt  }
0x68: {  	_ =	shalt  }
0x69: {  	_ =	shalt  }
0x6a: {  	_ =	shalt  }
0x6b: {  	_ =	shalt  }
0x6c: {  	_ =	shalt  }
0x6d: {  	_ =	shalt  }
0x6e: {  	_ =	shalt  }
0x6f: {  	_ =	shalt  }
0x70: {  	_ =	shalt  }
0x71: {  	_ =	shalt  }
0x72: {  	_ =	shalt  }
0x73: {  	_ =	shalt  }
0x74: {  	_ =	shalt  }
0x75: {  	_ =	shalt  }
0x76: {  	_ =	shalt  }
0x77: {  	_ =	shalt  }
0x78: {  	_ =	shalt  }
0x79: {  	_ =	shalt  }
0x7a: {  	_ =	shalt  }
0x7b: {  	_ =	shalt  }
0x7c: {  	_ =	shalt  }
0x7d: {  	_ =	shalt  }
0x7e: {  	_ =	shalt  }
0x7f: {  	_ =	shalt  }
0x80: {  	_ =	shalt  }
0x81: {  	_ =	shalt  }
0x82: {  	_ =	shalt  }
0x83: {  	_ =	shalt  }
0x84: {  	_ =	shalt  }
0x85: {  	_ =	shalt  }
0x86: {  	_ =	shalt  }
0x87: {  	_ =	shalt  }
.Lfunc_end0:
.L_simem_size_0:
called_computation.2_lowered:
.L_overlay_start_0:
0x88: {  	s2 =	sld [smem:$0x3FD9]  }
0x89: {  	s3 =	sld [smem:$0x3FFE];
	_ =	sdelay $0x1  }
0x8a: {  	s1 =	srdreg.scid  }
0x8b: {  	s0 =	sand.u32 $0x1, s1  }
0x8c: {  	s17 =	sshll.u32 s0, $0xA;
	s2 =	sadd.s32 s3, s2  }
0x8d: {  	s2 =	sadd.s32 s2, s17  }
0x8e: {  	[smem:$0x3FC4] =	sst s2  }
0x8f: {  	_ = 	snop  }
0x90: {  	s2 =	sld [smem:$0x3FD0];
	(tm) =	ssettm $0x1  }
0x91: {  	s18 =	sld [smem:$0x3FFB];
	_ =	sdelay $0x3  }
0x92: {  	_ =	strace s18  }
0x93: {  	s3 =	sld [smem:$0x3FFC];
	_ =	sdelay $0x3  }
0x94: {  	_ =	strace s3  }
0x95: {  	s3 =	sld [smem:$0x3FFD];
	_ =	sdelay $0x3  }
0x96: {  	_ =	strace s3  }
0x97: {  	_ =	strace $0x8FFFFFFF  }
0x98: {  	s19 =	sld [smem:$0x3FDB];
	_ =	sdelay $0x1  }
0x99: {  	s4 =	simm.s32 $_scs_section_size  }
0x9a: {  	s5 =	simm.s32 $_size__tile_overlayer_lowered;
	s6 =	simm.s32 $_tile_overlayer_lowered  }
0x9b: {  	s22 =	simm.s32 $0x1BFF;
	s21 =	sshll.u32 s6, $0x1;
	s3 =	sadd.s32 s4, s19  }
0x9c: {  	s7 =	simm.s32 $0x0;
	s20 =	sshll.u32 s5, $0x1;
	s5 =	sadd.s32 s21, s3  }
0x9d: {  	[timem:s7], [sflag:s22] =	dma.local [hbm:s5], s20  }
0x9e: {  	_ =	swait.ge [sflag:s22], s20  }
0x9f: {  	s4 =	ssub.s32 $0x0, s20;
	[sflag:s22] =	ssyncset.done $0x0  }
0xa0: {  	[sflag:s22] =	ssyncadd.s32 s4;
	_ =	sdelay $0x1  }
0xa1: {  	s23 =	simm.s32 $0x1B8B  }
0xa2: {  	_ =	swait.ge [sflag:s23], $0x1  }
0xa3: {  	[sflag:s23] =	ssyncset.done $0x0  }
0xa4: {  	s25 =	simm.s32 $0x1B8E;
	s24 =	sld [smem:$0x3FFE];
	[sflag:s23] =	ssyncadd.s32 $0xFFFFFFFF  }
0xa5: {  	s26 =	simm.s32 $execute0_lowered;
	[smem:$0x3FD2] =	sst s25  }
0xa6: {  	s5 =	sshll.u32 s26, $0x1;
	_ =	strace $0x8000004C;
	[dreg:$0x1] =	wrdreg $0xFFFFFFFF  }
0xa7: {  	s28 =	simm.s32 $_size_execute0_lowered;
	s3 =	sadd.s32 s3, s5;
	[dreg:$0x0] =	wrdreg $0x0  }
0xa8: {  	s5 =	sshll.u32 s28, $0x1;
	[dreg:$0x2] =	wrdreg s3  }
0xa9: {  	[dreg:$0x3] =	wrdreg s5  }
0xaa: {  	[dreg:$0x4] =	wrdreg $0xC0  }
0xab: {  	_ =	task [dreg:s7], $0x5FFFF  }
0xac: {  	[dreg:$0x1] =	wrdreg $0xFFFFFFFF  }
0xad: {  	[dreg:$0x0] =	wrdreg $0x60  }
0xae: {  	[dreg:$0x2] =	wrdreg s2  }
0xaf: {  	[dreg:$0x3] =	wrdreg s24  }
0xb0: {  	[dreg:$0x4] =	wrdreg $0xB5900  }
0xb1: {  	[dreg:$0x5] =	wrdreg $0x9  }
0xb2: {  	_ =	task.clear_ibuf [dreg:s7], $0x6FFFF;
	_ =	strace $0x9000004C  }
0xb3: {  	s29 =	simm.s32 $0x9;
	_ =	strace $0x8000004E  }
0xb4: {  	_ =	swait.ge [sflag:s29], $0x1  }
0xb5: {  	[sflag:s29] =	ssyncadd.s32 $0xFFFFFFFF  }
0xb6: {  	_ =	strace $0x9000004E  }
0xb7: {  	_ =	sfence  }
0xb8: {  	s30 =	sld [smem:$0x0];
	_ =	sdelay $0x2  }
0xb9: {  	s31 =	sshll.u32 s1, $0xD;
	s1 =	sshrl.u32 s1, $0x2  }
0xba: {  	s3 =	sand.u32 $0x4000, s31;
	s1 =	sadd.s32 s1, s30  }
0xbb: {  	s0 =	sor.u32 s3, s0;
	s1 =	sshll.u32 s1, $0x11  }
0xbc: {  	s0 =	sor.u32 s1, s0  }
0xbd: {  	s0 =	sadd.s32 $0x8F2B, s0  }
0xbe: {  	[sflag:s0] =	ssyncadd.remote.s32 $0x1  }
0xbf: {  	_ =	sfence.sel $0xFFFF  }
0xc0: {  	[dreg:$0x0] =	wrdreg $0xFFFFFFFF;
	(pc) =	sbr.abs _section_cstart, $3  }
0xc1: {  	[dreg:$0x1] =	wrdreg $0xFFFFFFFF  }
0xc2: {  	_ =	task.clear_ibuf [dreg:s7], $0x2FFFF;
	_ =	strace $0x9FFFFFFF  }
0xc3: {  	(tm) =	ssettm $0x7FFFFFFF  }
tec
execute0_lowered:
.L_overlay_start_1:
0x0: {  	(tag) =	ssettag $0x1  }
0x1: {  	s1 =	rddreg [dreg:$0x0]  }
0x2: {  	s0 =	srdreg.scid;
	s5 =	rddreg [dreg:$0x1]  }
0x3: {  	s6 =	stileid.u32;
	s3 =	rddreg [dreg:$0x2]  }
0x4: {  	s4 =	simm.s32 $0x0;
	s10 =	simm.s32 $0x11;
	s11 =	simm.s32 $0x2800  }
0x5: {  	s13 =	simm.s32 $0x7D;
	s14 =	simm.s32 $0x5000;
	s28 =	simm.s32 $0x1  }
0x6: {  	s31 =	simm.s32 $0x9;
	s12 =	simm.s32 $0xC;
	s15 =	simm.s32 $0xD  }
0x7: {  	s16 =	simm.s32 $0xE;
	s17 =	simm.s32 $0xF;
	s18 =	simm.s32 $0x10  }
0x8: {  	s0 =	sand.u32 $0x1, s0;
	s2 =	sshll.u32 s6, $0x1;
	s7 =	smul.u32 $0x2710, s6  }
0x9: {  	s19 =	simm.s32 $0x0;
	s2 =	sor.u32 s0, s2;
	s30 =	smul.u32 $0x27100, s0  }
0xa: {  	[smem:$0x7FF] =	sst s4;
	s0 =	ssub.s32 $0x2, s0;
	s2 =	smul.u32 $0x2800, s2  }
0xb: {  	_ =	strace $0x8000004D;
	s8 =	sshrl.u32 s0, $0x1;
	s6 =	sadd.s32 s7, s30  }
0xc: {  	s0 =	ssub.s32 s0, s8;
	s2 =	sshrl.u32 s2, $0x3;
	s6 =	sshrl.u32 s6, $0x3  }
0xd: {  	s7 =	sadd.s32 s7, s3;
	s2 =	sadd.s32 s2, s5;
	s9 =	sadd.s32 s6, s5  }
0xe: {  	s5 =	sadd.s32 $0x1FA00, s2;
	s6 =	sadd.s32 $0x29A00, s2;
	s8 =	sadd.s32 $0x1C00, s9  }
0xf: {  	v0 =	vimm.f32 $0.0e+00;
	s9 =	smax.u32 s0, $0x1;
	s2 =	simm.s32 $0xA;
	s0 =	simm.s32 $0xB  }
.LBB2_1:
0x10: {  	[tilespmem:s4], [sflag:$0x11] =	stream.linear.gather [hbm4b:s5+s4], $0x2800, $0x38;
	[tilespmem:$0xDCA0] =	vst v63  }
0x11: {  	_ =	swait.ge [sflag:s10], $0x2800  }
0x12: {  	[sflag:s10] =	ssyncset.done $0x0  }
0x13: {  	[sflag:s10] =	ssyncadd.s32 $0xFFFFD800  }
0x14: {  	[tilespmem:s11], [sflag:$0x11] =	stream.linear.gather [hbm4b:s6+s4], $0x2800, $0x38;
	[tilespmem:$0xDCA0] =	vst v63  }
0x15: {  	_ =	swait.ge [sflag:s10], $0x2800  }
0x16: {  	[sflag:s10] =	ssyncset.done $0x0  }
0x17: {  	s20 =	simm.s32 $0x40;
	s21 =	simm.s32 $0x0;
	[sflag:s10] =	ssyncadd.s32 $0xFFFFD800  }
.LBB2_2:
0x18: {  	p0 =	sne.s32 s20, $0x9C00;
	[tilespmem:s21+$0x8E80] =	vst v0;
	s21 =	smov.u32 s20;
	s20 =	sadd.s32 $0x40, s20  }
.Ltmp0:
0x19: {  	(pc) =	sbr.rel @p0 .LBB2_2-.Ltmp0, $2  }
0x1a: {  	_ =	sdelay $0x2  }
0x1b: {  	s21 =	sshra.s32 s21, $0x2  }
0x1c: {  	[tilespmem:s21+$0x8E80] =	vst v0;
	s20 =	simm.s32 $0x8E80  }
0x1d: {  	[spmem:s7] =	stream.linear.scatter [tilespmem:s20], [sflag:$0x11], $0x2710, $0x38;
	[tilespmem:$0xDCA0] =	vst v63  }
0x1e: {  	_ =	swait.ge [sflag:s10], $0x2710  }
0x1f: {  	[sflag:s10] =	ssyncset.done $0x0  }
0x20: {  	[sflag:s10] =	ssyncadd.s32 $0xFFFFD8F0  }
0x21: {  	[bflag:$0x0] =	sbarrier.arrive $0xFFFF  }
0x22: {  	[tilespmem:s14], [sflag:$0x1] =	stream.indirect.gather [hbm4b:s1+s13], $0x10, s4, s13, $0xb8;
	[tilespmem:$0xDCA0] =	vst v63  }
0x23: {  	s24 =	simm.s32 $0x80;
	s25 =	simm.s32 $0x57D0  }
0x24: {  	[tilespmem:s25], [sflag:$0x2] =	stream.indirect.gather [hbm4b:s1+s13], $0x10, s24, s13, $0xb8;
	[tilespmem:$0xDCA0] =	vst v63  }
0x25: {  	s26 =	simm.s32 $0x100;
	s30 =	simm.s32 $0x5FA0  }
0x26: {  	[tilespmem:s30], [sflag:$0x3] =	stream.indirect.gather [hbm4b:s1+s13], $0x10, s26, s13, $0xb8;
	[tilespmem:$0xDCA0] =	vst v63  }
0x27: {  	s22 =	simm.s32 $0x180;
	s23 =	simm.s32 $0x6770  }
0x28: {  	[tilespmem:s23], [sflag:$0x4] =	stream.indirect.gather [hbm4b:s1+s13], $0x10, s22, s13, $0xb8;
	[tilespmem:$0xDCA0] =	vst v63  }
0x29: {  	s24 =	simm.s32 $0x200;
	s25 =	simm.s32 $0x6F40  }
0x2a: {  	[tilespmem:s25], [sflag:$0x5] =	stream.indirect.gather [hbm4b:s1+s13], $0x10, s24, s13, $0xb8;
	[tilespmem:$0xDCA0] =	vst v63  }
0x2b: {  	s26 =	simm.s32 $0x280;
	s30 =	simm.s32 $0x7710  }
0x2c: {  	[tilespmem:s30], [sflag:$0x6] =	stream.indirect.gather [hbm4b:s1+s13], $0x10, s26, s13, $0xb8;
	[tilespmem:$0xDCA0] =	vst v63  }
0x2d: {  	s22 =	simm.s32 $0x300;
	s23 =	simm.s32 $0x7EE0  }
0x2e: {  	[tilespmem:s23], [sflag:$0x7] =	stream.indirect.gather [hbm4b:s1+s13], $0x10, s22, s13, $0xb8;
	[tilespmem:$0xDCA0] =	vst v63  }
0x2f: {  	_ =	swait.ge [sflag:s28], $0x7D0  }
0x30: {  	p0 =	por $0x0, $0x0;
	s20 =	simm.s32 $0x400;
	[sflag:s28] =	ssyncset.done $0x0  }
0x31: {  	s29 =	simm.s32 @!p0 $0x7D;
	s26 =	simm.s32 $0x1;
	[sflag:s28] =	ssyncadd.s32 $0xFFFFF830  }
0x32: {  	[spmem:s3] =	stream.indirect.scatter.add.f32 [tilespmem:s14], [sflag:$0x9], $0x10, s11, s13, $0xb8;
	[tilespmem:$0xDCA0] =	vst v63  }
0x33: {  	s24 =	simm.s32 $0x380;
	s25 =	simm.s32 $0x86B0;
	s30 =	sand.u32 $0x7, s26  }
0x34: {  	[tilespmem:s25], [sflag:$0x8] =	stream.indirect.gather [hbm4b:s1+s13], $0x10, s24, s13, $0xb8;
	[tilespmem:$0xDCA0] =	vst v63  }
0x35: {  	s22 =	simm.s32 $0x8;
	s23 =	smul.u32 $0x1F40, s30;
	s24 =	sadd.s32 $0x1, s30  }
0x36: {  	s21 =	sadd.s32 $0x9, s30;
	s22 =	sand.u32 @!p0 $0x7, s22;
	_ =	swait.ge [sflag:s24], $0x7D0  }
0x37: {  	s23 =	sshrl.u32 s23, $0x2;
	s26 =	smul.u32 @!p0 $0x1F40, s22;
	[sflag:s24] =	ssyncset.done $0x0  }
0x38: {  	s23 =	sadd.s32 $0x5000, s23;
	s25 =	simm.s32 $0x2880;
	[sflag:s24] =	ssyncadd.s32 $0xFFFFF830  }
0x39: {  	[spmem:s3] =	stream.indirect.scatter.add.f32 [tilespmem:s23], [sflag:s21], $0x10, s25, s13, $0xb8;
	[tilespmem:$0xDCA0] =	vst v63  }
0x3a: {  	s24 =	sadd.s32 @!p0 $0x9, s22;
	s21 =	simm.s32 $0x9;
	s25 =	sadd.s32 @!p0 $0x1, s22  }
0x3b: {  	s23 =	sshrl.u32 @!p0 s26, $0x2;
	s22 =	simm.s32 $0x2900;
	_ =	swait.ge @!p0 [sflag:s24], $0x7D0  }
0x3c: {  	s26 =	sadd.s32 @!p0 $0x5000, s23;
	s23 =	simm.s32 $0x400;
	[sflag:s24] =	ssyncset.done @!p0 $0x0  }
.LBB2_4:
0x3d: {  	[sflag:s24] =	ssyncadd.s32 @!p0 $0xFFFFF830  }
0x3e: {  	s20 =	sadd.s32 $0x80, s20;
	s24 =	smov.u32 s21;
	s21 =	sadd.s32 $0x1, s21  }
0x3f: {  	[tilespmem:s26], [sflag:s25] =	stream.indirect.gather @!p0 [hbm4b:s1+s29], $0x10, s23, s29, $0xb8;
	[tilespmem:$0xDCA0] =	vst v63  }
0x40: {  	s25 =	sadd.s32 $0xFFFFFFF9, s24;
	p1 =	sne.s32 s21, $0x57;
	s23 =	smov.u32 s20  }
0x41: {  	s26 =	sand.u32 $0x7, s25  }
0x42: {  	s29 =	smul.u32 $0x1F40, s26;
	s30 =	sadd.s32 $0x1, s26  }
0x43: {  	p0 =	sgt.u32 s25, $0x48;
	s26 =	sadd.s32 $0x9, s26;
	_ =	swait.ge [sflag:s30], $0x7D0  }
0x44: {  	s25 =	sand.u32 @!p0 $0x7, s24;
	s29 =	sshrl.u32 s29, $0x2;
	[sflag:s30] =	ssyncset.done $0x0  }
.Ltmp1:
0x45: {  	s29 =	sadd.s32 $0x5000, s29;
	[sflag:s30] =	ssyncadd.s32 $0xFFFFF830;
	(pc) =	sbr.rel @p1 .LBB2_4-.Ltmp1, $4  }
0x46: {  	s24 =	sadd.s32 @!p0 $0x9, s25;
	s30 =	smul.u32 @!p0 $0x1F40, s25;
	s25 =	sadd.s32 @!p0 $0x1, s25  }
0x47: {  	[spmem:s3] =	stream.indirect.scatter.add.f32 [tilespmem:s29], [sflag:s26], $0x10, s22, s13, $0xb8;
	[tilespmem:$0xDCA0] =	vst v63  }
0x48: {  	s26 =	sshrl.u32 @!p0 s30, $0x2;
	s22 =	sadd.s32 $0x80, s22;
	_ =	swait.ge @!p0 [sflag:s24], $0x7D0  }
0x49: {  	s29 =	simm.s32 @!p0 $0x7D;
	s26 =	sadd.s32 @!p0 $0x5000, s26;
	[sflag:s24] =	ssyncset.done @!p0 $0x0  }
0x4a: {  	[sflag:s24] =	ssyncadd.s32 @!p0 $0xFFFFF830  }
0x4b: {  	[tilespmem:s26], [sflag:s25] =	stream.indirect.gather @!p0 [hbm4b:s1+s29], $0x10, s23, s29, $0xb8;
	[tilespmem:$0xDCA0] =	vst v63  }
0x4c: {  	_ =	swait.ge [sflag:s31], $0x7D0  }
0x4d: {  	[sflag:s31] =	ssyncset.done $0x0  }
0x4e: {  	[sflag:s31] =	ssyncadd.s32 $0xFFFFF830  }
0x4f: {  	_ =	swait.ge [sflag:s2], $0x7D0  }
0x50: {  	[sflag:s2] =	ssyncset.done $0x0  }
0x51: {  	[sflag:s2] =	ssyncadd.s32 $0xFFFFF830  }
0x52: {  	_ =	swait.ge [sflag:s0], $0x7D0  }
0x53: {  	[sflag:s0] =	ssyncset.done $0x0  }
0x54: {  	[sflag:s0] =	ssyncadd.s32 $0xFFFFF830  }
0x55: {  	_ =	swait.ge [sflag:s12], $0x7D0  }
0x56: {  	[sflag:s12] =	ssyncset.done $0x0  }
0x57: {  	[sflag:s12] =	ssyncadd.s32 $0xFFFFF830  }
0x58: {  	_ =	swait.ge [sflag:s15], $0x7D0  }
0x59: {  	[sflag:s15] =	ssyncset.done $0x0  }
0x5a: {  	[sflag:s15] =	ssyncadd.s32 $0xFFFFF830  }
0x5b: {  	_ =	swait.ge [sflag:s16], $0x7D0  }
0x5c: {  	[sflag:s16] =	ssyncset.done $0x0  }
0x5d: {  	[sflag:s16] =	ssyncadd.s32 $0xFFFFF830  }
0x5e: {  	_ =	swait.ge [sflag:s17], $0x7D0  }
0x5f: {  	[sflag:s17] =	ssyncset.done $0x0  }
0x60: {  	[sflag:s17] =	ssyncadd.s32 $0xFFFFF830  }
0x61: {  	s20 =	stileid.u32;
	_ =	swait.ge [sflag:s18], $0x7D0  }
0x62: {  	s21 =	sshrl.u32 s7, $0x3;
	s19 =	sadd.s32 $0x1, s19;
	[sflag:s18] =	ssyncset.done $0x0  }
0x63: {  	s20 =	sshll.u32 s20, $0x6;
	p0 =	sne.s32 s19, s9;
	[sflag:s18] =	ssyncadd.s32 $0xFFFFF830  }
.Ltmp2:
0x64: {  	s20 =	sor.u32 $0x1C11, s20;
	[bflag:$0x0] =	sbarrier.arrive $0xFFFF;
	(pc) =	sbr.rel @p0 .LBB2_1-.Ltmp2, $4  }
0x65: {  	[hbm:s8], [sflag:s20] =	dma.local [spmem:s21], $0x4E2  }
0x66: {  	_ =	swait.ge [sflag:s10], $0x4E2  }
0x67: {  	[sflag:s10] =	ssyncset.done $0x0  }
0x68: {  	[sflag:s10] =	ssyncadd.s32 $0xFFFFFB1E  }
0x69: {  	_ =	sfence.sel $0x180000  }
0x6a: {  	[bflag:$0x0] =	sbarrier.arrive $0xFFFF  }
0x6b: {  	_ =	strace $0x9000004D  }
0x6c: {  	s0 =	stileid.u32;
	[bflag:$0x2] =	sbarrier.arrive $0xFFFF  }
0x6d: {  	p0 =	sne.s32 s0, $0x0;
	s0 =	rddreg [dreg:$0x3]  }
0x6e: {  	s0 =	sadd.s32 @!p0 $0x100000, s0  }
0x6f: {  	[sflag:s0] =	ssyncadd.tile.s32 @!p0 $0x1;
	_ =	shalt  }
.Lfunc_end2:
_tile_overlayer_lowered:
.L_overlay_start_2:
0x70: {  	(tag) =	ssettag $0x2  }
0x71: {  	s0 =	rddreg [dreg:$0x0];
	s2 =	stileid.u32  }
0x72: {  	s1 =	rddreg [dreg:$0x1];
	p0 =	sne.s32 s2, $0x0  }
0x73: {  	s3 =	rddreg [dreg:$0x2];
	[bflag:$0x3] =	sbarrier.arrive $0xFFFF;
	s2 =	simm.s32 @!p0 $0x1C11  }
0x74: {  	[timem:s3], [sflag:s2] =	dma.local @!p0 [hbm:s0], s1  }
0x75: {  	s0 =	simm.s32 @!p0 $0x11  }
0x76: {  	_ =	swait.ge @!p0 [sflag:s0], s1  }
0x77: {  	s1 =	ssub.s32 @!p0 $0x0, s1;
	[sflag:s0] =	ssyncset.done @!p0 $0x0  }
0x78: {  	[sflag:s0] =	ssyncadd.s32 @!p0 s1  }
0x79: {  	[bflag:$0x3] =	sbarrier.arrive $0xFFFF  }
0x7a: {  	_ =	shalt  }

</sc_bundles>
